<compile_context>
chip_gen: v7x
topology: tpu7x:2x2x1
jax: 0.10.2.dev20260603
libtpu: 0.0.44.dev20260713+nightly
codegen_flags: <defaults>
</compile_context>

<pallas_src>
import jax
import jax.numpy as jnp
from jax import lax
from jax.experimental import pallas as pl
from jax.experimental.pallas import tpu as pltpu
from jax.experimental.pallas import tpu_sc as plsc

_K = 1000
_D = 128
_B = 4096
_L = 200

_NC = 2
_NS = 16
_NW = _NC * _NS

_N = _B * _L
_PER_W = _N // _NW
_SUB = 128
_NSUB = _PER_W // _SUB
_NBUF = 5


def _weight_body(r_ref, l_ref, h_ref, e_ref, w_ref):
    r = r_ref[...]
    w_ref[...] = r * l_ref[...] + (1.0 - r) * h_ref[...] + e_ref[...]


def _gather_body(w_hbm, idx_hbm, out_hbm, table_sh, idx_v, rows_v, semg, semo):
    sid = lax.axis_index("s")
    wid = sid * _NC + lax.axis_index("c")
    base = wid * _NSUB

    @pl.when(sid < 5)
    def _():
        pltpu.sync_copy(
            w_hbm.at[pl.ds(sid * 200, 200)], table_sh.at[pl.ds(sid * 200, 200)]
        )

    plsc.subcore_barrier()

    pltpu.sync_copy(idx_hbm.at[pl.ds(base, _NSUB)], idx_v)

    def group(p, carry):
        gathers = []
        for b in range(_NBUF):
            c = p * _NBUF + b

            @pl.when(p > 0)
            def _(b=b):
                pltpu.make_async_copy(
                    rows_v.at[b], out_hbm.at[pl.ds(0, _SUB)], semo.at[b]
                ).wait()

            gathers.append(
                pltpu.async_copy(table_sh.at[idx_v.at[c]], rows_v.at[b], semg)
            )
        for b in range(_NBUF):
            c = p * _NBUF + b
            gathers[b].wait()
            pltpu.async_copy(
                rows_v.at[b],
                out_hbm.at[pl.ds((base + c) * _SUB, _SUB)],
                semo.at[b],
            )
        return carry

    lax.fori_loop(0, _NSUB // _NBUF, group, 0)

    for b in range(_NBUF):
        pltpu.make_async_copy(
            rows_v.at[b], out_hbm.at[pl.ds(0, _SUB)], semo.at[b]
        ).wait()


@jax.jit
def kernel(idx, E, l, h, r):
    weight = pl.pallas_call(
        _weight_body,
        out_shape=jax.ShapeDtypeStruct((_K, _D), jnp.float32),
    )(r.reshape(_K, 1), l.reshape(1, _D), h.reshape(1, _D), E)

    idx2 = idx.reshape(_N // _SUB, _SUB).astype(jnp.int32)

    gather = pl.kernel(
        _gather_body,
        out_type=jax.ShapeDtypeStruct((_N, _D), jnp.float32),
        mesh=plsc.VectorSubcoreMesh(
            core_axis_name="c", subcore_axis_name="s",
            num_cores=_NC, num_subcores=_NS,
        ),
        scratch_types=[
            pltpu.VMEM_SHARED((_K, _D), jnp.float32),
            pltpu.VMEM((_NSUB, _SUB), jnp.int32),
            pltpu.VMEM((_NBUF, _SUB, _D), jnp.float32),
            pltpu.SemaphoreType.DMA,
            pltpu.SemaphoreType.DMA((_NBUF,)),
        ],
    )
    out = gather(weight, idx2)
    return out.reshape(_B, _L, _D)

# --- scband reference (transcript-rebuilt; emitter-appended) ---
"""Pipeline reference for scband-ordered-embedding-5884105196198 (READ-ONLY COPY).

The authoritative reference and input builder live on the scoring server;
editing this copy changes nothing except your own understanding.
"""

import jax, jax.numpy as jnp
import numpy as np

K = 1000
D = 128
B = 4096
L = 200

def setup_inputs(seed: int = 0) -> dict:
    key = jax.random.key(seed)
    k1, k2, k3, k4 = jax.random.split(key, 4)
    idx = jax.random.randint(k1, (B, L), 0, K)
    # learned parameters per OrderedEmbedding.__init__ (E init zeros in torch;
    # use small random values so the gather output is nontrivial)
    E = jax.random.normal(k2, (K, D), dtype=jnp.float32) * 0.02
    l = jax.random.normal(k3, (D,), dtype=jnp.float32) * 0.05
    h = jax.random.normal(k4, (D,), dtype=jnp.float32) * 0.05
    # non-trainable buffer r derived from ordered cluster centers occ = arange(K)
    occ = jnp.arange(K, dtype=jnp.float32)
    r = (occ - occ[0]) / (occ[-1] - occ[0])
    return {"idx": idx, "E": E, "l": l, "h": h, "r": r}

def reference(idx, E, l, h, r):
    # weight[k] = r[k] * l + (1 - r[k]) * h + E[k]  (vectorized form of the torch stack-loop)
    weight = r[:, None] * l[None, :] + (1.0 - r[:, None]) * h[None, :] + E
    # forward: weight[idx]  -> gather rows
    return jnp.take(weight, idx, axis=0)

if __name__ == "__main__":
    import jax
    _d = setup_inputs()
    print(jax.jit(kernel)(*tuple(_d.values())))

</pallas_src>

<mosaic_0001>
#map = affine_map<(d0, d1) -> (0, 0)>
module attributes {stable_mosaic.version = 14 : i64} {
  func.func @_gather_body(%arg0: i32, %arg1: i32, %arg2: memref<1000x128xf32, #tpu.memory_space<hbm>>, %arg3: memref<6400x128xi32, #tpu.memory_space<hbm>>, %arg4: memref<819200x128xf32, #tpu.memory_space<hbm>>, %arg5: memref<1000x128xf32, #tpu.memory_space<vmem_shared>>, %arg6: memref<200x128xi32, #tpu.memory_space<vmem>>, %arg7: memref<5x128x128xf32, #tpu.memory_space<vmem>>, %arg8: memref<!tpu.dma_semaphore, #tpu.memory_space<semaphore_mem>>, %arg9: memref<5x!tpu.dma_semaphore, #tpu.memory_space<semaphore_mem>>) attributes {dimension_semantics = [#tpu.dimension_semantics<core_parallel>, #tpu.dimension_semantics<subcore_parallel>], iteration_bounds = array<i64: 2, 16>, scalar_prefetch = 0 : i64, scratch_operands = 5 : i64, tpu.core_type = #tpu.core_type<sc_vector_subcore>, window_params = [{transform_indices = #map}, {transform_indices = #map}, {transform_indices = #map}]} {
    %mul3A = arith.constant 2 : i32
    %mul3A_0 = arith.muli %arg1, %mul3A : i32
    %add3A = arith.addi %mul3A_0, %arg0 : i32
    %mul3A_1 = arith.constant 200 : i32
    %mul3A_2 = arith.muli %add3A, %mul3A_1 : i32
    %lt3A = arith.constant 5 : i32
    %lt3A_3 = arith.cmpi slt, %arg1, %lt3A : i32
    %convert_element_type3A = arith.extui %lt3A_3 : i1 to i32
    %cond3A = arith.constant 0 : i32
    %cond3A_4 = arith.cmpi ne, %convert_element_type3A, %cond3A : i32
    scf.if %cond3A_4 {
      %mul3A_99 = arith.constant 200 : i32
      %mul3A_100 = arith.muli %arg1, %mul3A_99 : i32
      %mul3A_101 = arith.constant 200 : i32
      %mul3A_102 = arith.muli %arg1, %mul3A_101 : i32
      "tpu.region"() ({
        %run_scoped3A = tpu.sem_alloc : memref<!tpu.dma_semaphore, #tpu.memory_space<semaphore_mem>>
        %dma_start3A = arith.constant 0 : i32
        %dma_start3A_103 = tpu.memref_slice %arg5[%mul3A_102, %dma_start3A] : memref<1000x128xf32, #tpu.memory_space<vmem_shared>> -> memref<200x128xf32, #tpu.memory_space<vmem_shared>>
        %dma_start3A_104 = arith.constant 0 : i32
        %dma_start3A_105 = tpu.memref_slice %arg2[%mul3A_100, %dma_start3A_104] : memref<1000x128xf32, #tpu.memory_space<hbm>> -> memref<200x128xf32, #tpu.memory_space<hbm>>
        tpu.enqueue_dma source(%dma_start3A_105 : memref<200x128xf32, #tpu.memory_space<hbm>>) target(%dma_start3A_103 : memref<200x128xf32, #tpu.memory_space<vmem_shared>>) target_semaphore(%run_scoped3A : memref<!tpu.dma_semaphore, #tpu.memory_space<semaphore_mem>>)
        %dma_wait3A_106 = arith.constant 0 : i32
        %dma_wait3A_107 = tpu.memref_slice %arg5[%mul3A_102, %dma_wait3A_106] : memref<1000x128xf32, #tpu.memory_space<vmem_shared>> -> memref<200x128xf32, #tpu.memory_space<vmem_shared>>
        %dma_wait3A_108 = arith.constant 0 : i32
        %dma_wait3A_109 = tpu.memref_slice %arg2[%mul3A_100, %dma_wait3A_108] : memref<1000x128xf32, #tpu.memory_space<hbm>> -> memref<200x128xf32, #tpu.memory_space<hbm>>
        tpu.wait_dma2 semaphore(%run_scoped3A : memref<!tpu.dma_semaphore, #tpu.memory_space<semaphore_mem>>) src(%dma_wait3A_109 : memref<200x128xf32, #tpu.memory_space<hbm>>) dst(%dma_wait3A_107 : memref<200x128xf32, #tpu.memory_space<vmem_shared>>)
        tpu.yield
      }) : () -> ()
    } else {
    }
    %barrier3A = arith.constant 0 : index
    tpu.barrier barrier_id(%barrier3A)
    "tpu.region"() ({
      %run_scoped3A = tpu.sem_alloc : memref<!tpu.dma_semaphore, #tpu.memory_space<semaphore_mem>>
      %dma_start3A = arith.constant 0 : i32
      %dma_start3A_99 = tpu.memref_slice %arg3[%mul3A_2, %dma_start3A] : memref<6400x128xi32, #tpu.memory_space<hbm>> -> memref<200x128xi32, #tpu.memory_space<hbm>>
      %dma_start3A_100 = arith.constant 0 : i32
      %dma_start3A_101 = tpu.memref_slice %arg3[%mul3A_2, %dma_start3A_100] : memref<6400x128xi32, #tpu.memory_space<hbm>> -> memref<200x128xi32, #tpu.memory_space<hbm>>
      tpu.enqueue_dma source(%dma_start3A_101 : memref<200x128xi32, #tpu.memory_space<hbm>>) target(%arg6 : memref<200x128xi32, #tpu.memory_space<vmem>>) target_semaphore(%run_scoped3A : memref<!tpu.dma_semaphore, #tpu.memory_space<semaphore_mem>>)
      %dma_wait3A_102 = arith.constant 0 : i32
      %dma_wait3A_103 = tpu.memref_slice %arg3[%mul3A_2, %dma_wait3A_102] : memref<6400x128xi32, #tpu.memory_space<hbm>> -> memref<200x128xi32, #tpu.memory_space<hbm>>
      %dma_wait3A_104 = arith.constant 0 : i32
      %dma_wait3A_105 = tpu.memref_slice %arg3[%mul3A_2, %dma_wait3A_104] : memref<6400x128xi32, #tpu.memory_space<hbm>> -> memref<200x128xi32, #tpu.memory_space<hbm>>
      tpu.wait_dma2 semaphore(%run_scoped3A : memref<!tpu.dma_semaphore, #tpu.memory_space<semaphore_mem>>) src(%dma_wait3A_105 : memref<200x128xi32, #tpu.memory_space<hbm>>) dst(%arg6 : memref<200x128xi32, #tpu.memory_space<vmem>>)
      tpu.yield
    }) : () -> ()
    %scan3A = arith.constant 0 : i32
    %scan3A_5 = arith.constant 0 : i32
    %scan3A_6 = arith.constant 40 : i32
    %scan3A_7 = arith.addi %scan3A_5, %scan3A_6 : i32
    %scan3A_8 = arith.constant 1 : i32
    scf.for %scan3A_99 = %scan3A_5 to %scan3A_7 step %scan3A_8  : i32 {
      %mul3A_100 = arith.constant 5 : i32
      %mul3A_101 = arith.muli %scan3A_99, %mul3A_100 : i32
      %add3A_102 = arith.constant 0 : i32
      %add3A_103 = arith.addi %mul3A_101, %add3A_102 : i32
      %gt3A = arith.constant 0 : i32
      %gt3A_104 = arith.cmpi sgt, %scan3A_99, %gt3A : i32
      %convert_element_type3A_105 = arith.extui %gt3A_104 : i1 to i32
      %cond3A_106 = arith.constant 0 : i32
      %cond3A_107 = arith.cmpi ne, %convert_element_type3A_105, %cond3A_106 : i32
      scf.if %cond3A_107 {
        %dma_wait3A_368 = arith.constant 0 : i32
        %dma_wait3A_369 = arith.constant 0 : i32
        %dma_wait3A_370 = arith.constant 0 : i32
        %dma_wait3A_371 = arith.constant 0 : i32
        %dma_wait3A_372 = tpu.memref_slice %arg7[%dma_wait3A_368, %dma_wait3A_370, %dma_wait3A_371] : memref<5x128x128xf32, #tpu.memory_space<vmem>> -> memref<1x128x128xf32, #tpu.memory_space<vmem>>
        %dma_wait3A_373 = tpu.memref_squeeze %dma_wait3A_372 : memref<1x128x128xf32, #tpu.memory_space<vmem>> -> memref<128x128xf32, #tpu.memory_space<vmem>>
        %dma_wait3A_374 = arith.constant 0 : i32
        %dma_wait3A_375 = arith.constant 0 : i32
        %dma_wait3A_376 = tpu.memref_slice %arg4[%dma_wait3A_374, %dma_wait3A_375] : memref<819200x128xf32, #tpu.memory_space<hbm>> -> memref<128x128xf32, #tpu.memory_space<hbm>>
        %dma_wait3A_377 = tpu.memref_slice %arg9[%dma_wait3A_369] : memref<5x!tpu.dma_semaphore, #tpu.memory_space<semaphore_mem>> -> memref<1x!tpu.dma_semaphore, #tpu.memory_space<semaphore_mem>>
        %dma_wait3A_378 = tpu.memref_squeeze %dma_wait3A_377 : memref<1x!tpu.dma_semaphore, #tpu.memory_space<semaphore_mem>> -> memref<!tpu.dma_semaphore, #tpu.memory_space<semaphore_mem>>
        %dma_wait3A_379 = arith.constant 0 : i32
        %dma_wait3A_380 = arith.constant 0 : i32
        %dma_wait3A_381 = tpu.memref_slice %arg4[%dma_wait3A_379, %dma_wait3A_380] : memref<819200x128xf32, #tpu.memory_space<hbm>> -> memref<128x128xf32, #tpu.memory_space<hbm>>
        %dma_wait3A_382 = arith.constant 0 : i32
        %dma_wait3A_383 = arith.constant 0 : i32
        %dma_wait3A_384 = tpu.memref_slice %arg7[%dma_wait3A_368, %dma_wait3A_382, %dma_wait3A_383] : memref<5x128x128xf32, #tpu.memory_space<vmem>> -> memref<1x128x128xf32, #tpu.memory_space<vmem>>
        %dma_wait3A_385 = tpu.memref_squeeze %dma_wait3A_384 : memref<1x128x128xf32, #tpu.memory_space<vmem>> -> memref<128x128xf32, #tpu.memory_space<vmem>>
        tpu.wait_dma2 semaphore(%dma_wait3A_378 : memref<!tpu.dma_semaphore, #tpu.memory_space<semaphore_mem>>) src(%dma_wait3A_385 : memref<128x128xf32, #tpu.memory_space<vmem>>) dst(%dma_wait3A_381 : memref<128x128xf32, #tpu.memory_space<hbm>>)
      } else {
      }
      %dma_start3A = arith.constant 0 : i32
      %dma_start3A_108 = arith.constant 0 : i32
      %dma_start3A_109 = arith.constant 0 : i32
      %dma_start3A_110 = tpu.memref_slice %arg7[%dma_start3A, %dma_start3A_108, %dma_start3A_109] : memref<5x128x128xf32, #tpu.memory_space<vmem>> -> memref<1x128x128xf32, #tpu.memory_space<vmem>>
      %dma_start3A_111 = tpu.memref_squeeze %dma_start3A_110 : memref<1x128x128xf32, #tpu.memory_space<vmem>> -> memref<128x128xf32, #tpu.memory_space<vmem>>
      %dma_start3A_112 = arith.constant 0 : i32
      %dma_start3A_113 = tpu.memref_slice %arg6[%add3A_103, %dma_start3A_112] : memref<200x128xi32, #tpu.memory_space<vmem>> -> memref<1x128xi32, #tpu.memory_space<vmem>>
      %dma_start3A_114 = tpu.memref_squeeze %dma_start3A_113 : memref<1x128xi32, #tpu.memory_space<vmem>> -> memref<128xi32, #tpu.memory_space<vmem>>
      %dma_start3A_115 = arith.constant 0 : i32
      %dma_start3A_116 = arith.constant 0 : i32
      %dma_start3A_117 = tpu.memref_slice %arg5[%dma_start3A_115, %dma_start3A_116] : memref<1000x128xf32, #tpu.memory_space<vmem_shared>> -> memref<1000x128xf32, #tpu.memory_space<vmem_shared>>
      tpu.enqueue_indirect_dma source(%dma_start3A_117 : memref<1000x128xf32, #tpu.memory_space<vmem_shared>>) target(%dma_start3A_111 : memref<128x128xf32, #tpu.memory_space<vmem>>) offsets(%dma_start3A_114 : memref<128xi32, #tpu.memory_space<vmem>>) semaphore(%arg8 : memref<!tpu.dma_semaphore, #tpu.memory_space<semaphore_mem>>)
      %mul3A_118 = arith.constant 5 : i32
      %mul3A_119 = arith.muli %scan3A_99, %mul3A_118 : i32
      %add3A_120 = arith.constant 1 : i32
      %add3A_121 = arith.addi %mul3A_119, %add3A_120 : i32
      %gt3A_122 = arith.constant 0 : i32
      %gt3A_123 = arith.cmpi sgt, %scan3A_99, %gt3A_122 : i32
      %convert_element_type3A_124 = arith.extui %gt3A_123 : i1 to i32
      %cond3A_125 = arith.constant 0 : i32
      %cond3A_126 = arith.cmpi ne, %convert_element_type3A_124, %cond3A_125 : i32
      scf.if %cond3A_126 {
        %dma_wait3A_368 = arith.constant 1 : i32
        %dma_wait3A_369 = arith.constant 1 : i32
        %dma_wait3A_370 = arith.constant 0 : i32
        %dma_wait3A_371 = arith.constant 0 : i32
        %dma_wait3A_372 = tpu.memref_slice %arg7[%dma_wait3A_368, %dma_wait3A_370, %dma_wait3A_371] : memref<5x128x128xf32, #tpu.memory_space<vmem>> -> memref<1x128x128xf32, #tpu.memory_space<vmem>>
        %dma_wait3A_373 = tpu.memref_squeeze %dma_wait3A_372 : memref<1x128x128xf32, #tpu.memory_space<vmem>> -> memref<128x128xf32, #tpu.memory_space<vmem>>
        %dma_wait3A_374 = arith.constant 0 : i32
        %dma_wait3A_375 = arith.constant 0 : i32
        %dma_wait3A_376 = tpu.memref_slice %arg4[%dma_wait3A_374, %dma_wait3A_375] : memref<819200x128xf32, #tpu.memory_space<hbm>> -> memref<128x128xf32, #tpu.memory_space<hbm>>
        %dma_wait3A_377 = tpu.memref_slice %arg9[%dma_wait3A_369] : memref<5x!tpu.dma_semaphore, #tpu.memory_space<semaphore_mem>> -> memref<1x!tpu.dma_semaphore, #tpu.memory_space<semaphore_mem>>
        %dma_wait3A_378 = tpu.memref_squeeze %dma_wait3A_377 : memref<1x!tpu.dma_semaphore, #tpu.memory_space<semaphore_mem>> -> memref<!tpu.dma_semaphore, #tpu.memory_space<semaphore_mem>>
        %dma_wait3A_379 = arith.constant 0 : i32
        %dma_wait3A_380 = arith.constant 0 : i32
        %dma_wait3A_381 = tpu.memref_slice %arg4[%dma_wait3A_379, %dma_wait3A_380] : memref<819200x128xf32, #tpu.memory_space<hbm>> -> memref<128x128xf32, #tpu.memory_space<hbm>>
        %dma_wait3A_382 = arith.constant 0 : i32
        %dma_wait3A_383 = arith.constant 0 : i32
        %dma_wait3A_384 = tpu.memref_slice %arg7[%dma_wait3A_368, %dma_wait3A_382, %dma_wait3A_383] : memref<5x128x128xf32, #tpu.memory_space<vmem>> -> memref<1x128x128xf32, #tpu.memory_space<vmem>>
        %dma_wait3A_385 = tpu.memref_squeeze %dma_wait3A_384 : memref<1x128x128xf32, #tpu.memory_space<vmem>> -> memref<128x128xf32, #tpu.memory_space<vmem>>
        tpu.wait_dma2 semaphore(%dma_wait3A_378 : memref<!tpu.dma_semaphore, #tpu.memory_space<semaphore_mem>>) src(%dma_wait3A_385 : memref<128x128xf32, #tpu.memory_space<vmem>>) dst(%dma_wait3A_381 : memref<128x128xf32, #tpu.memory_space<hbm>>)
      } else {
      }
      %dma_start3A_127 = arith.constant 1 : i32
      %dma_start3A_128 = arith.constant 0 : i32
      %dma_start3A_129 = arith.constant 0 : i32
      %dma_start3A_130 = tpu.memref_slice %arg7[%dma_start3A_127, %dma_start3A_128, %dma_start3A_129] : memref<5x128x128xf32, #tpu.memory_space<vmem>> -> memref<1x128x128xf32, #tpu.memory_space<vmem>>
      %dma_start3A_131 = tpu.memref_squeeze %dma_start3A_130 : memref<1x128x128xf32, #tpu.memory_space<vmem>> -> memref<128x128xf32, #tpu.memory_space<vmem>>
      %dma_start3A_132 = arith.constant 0 : i32
      %dma_start3A_133 = tpu.memref_slice %arg6[%add3A_121, %dma_start3A_132] : memref<200x128xi32, #tpu.memory_space<vmem>> -> memref<1x128xi32, #tpu.memory_space<vmem>>
      %dma_start3A_134 = tpu.memref_squeeze %dma_start3A_133 : memref<1x128xi32, #tpu.memory_space<vmem>> -> memref<128xi32, #tpu.memory_space<vmem>>
      %dma_start3A_135 = arith.constant 0 : i32
      %dma_start3A_136 = arith.constant 0 : i32
      %dma_start3A_137 = tpu.memref_slice %arg5[%dma_start3A_135, %dma_start3A_136] : memref<1000x128xf32, #tpu.memory_space<vmem_shared>> -> memref<1000x128xf32, #tpu.memory_space<vmem_shared>>
      tpu.enqueue_indirect_dma source(%dma_start3A_137 : memref<1000x128xf32, #tpu.memory_space<vmem_shared>>) target(%dma_start3A_131 : memref<128x128xf32, #tpu.memory_space<vmem>>) offsets(%dma_start3A_134 : memref<128xi32, #tpu.memory_space<vmem>>) semaphore(%arg8 : memref<!tpu.dma_semaphore, #tpu.memory_space<semaphore_mem>>)
      %mul3A_138 = arith.constant 5 : i32
      %mul3A_139 = arith.muli %scan3A_99, %mul3A_138 : i32
      %add3A_140 = arith.constant 2 : i32
      %add3A_141 = arith.addi %mul3A_139, %add3A_140 : i32
      %gt3A_142 = arith.constant 0 : i32
      %gt3A_143 = arith.cmpi sgt, %scan3A_99, %gt3A_142 : i32
      %convert_element_type3A_144 = arith.extui %gt3A_143 : i1 to i32
      %cond3A_145 = arith.constant 0 : i32
      %cond3A_146 = arith.cmpi ne, %convert_element_type3A_144, %cond3A_145 : i32
      scf.if %cond3A_146 {
        %dma_wait3A_368 = arith.constant 2 : i32
        %dma_wait3A_369 = arith.constant 2 : i32
        %dma_wait3A_370 = arith.constant 0 : i32
        %dma_wait3A_371 = arith.constant 0 : i32
        %dma_wait3A_372 = tpu.memref_slice %arg7[%dma_wait3A_368, %dma_wait3A_370, %dma_wait3A_371] : memref<5x128x128xf32, #tpu.memory_space<vmem>> -> memref<1x128x128xf32, #tpu.memory_space<vmem>>
        %dma_wait3A_373 = tpu.memref_squeeze %dma_wait3A_372 : memref<1x128x128xf32, #tpu.memory_space<vmem>> -> memref<128x128xf32, #tpu.memory_space<vmem>>
        %dma_wait3A_374 = arith.constant 0 : i32
        %dma_wait3A_375 = arith.constant 0 : i32
        %dma_wait3A_376 = tpu.memref_slice %arg4[%dma_wait3A_374, %dma_wait3A_375] : memref<819200x128xf32, #tpu.memory_space<hbm>> -> memref<128x128xf32, #tpu.memory_space<hbm>>
        %dma_wait3A_377 = tpu.memref_slice %arg9[%dma_wait3A_369] : memref<5x!tpu.dma_semaphore, #tpu.memory_space<semaphore_mem>> -> memref<1x!tpu.dma_semaphore, #tpu.memory_space<semaphore_mem>>
        %dma_wait3A_378 = tpu.memref_squeeze %dma_wait3A_377 : memref<1x!tpu.dma_semaphore, #tpu.memory_space<semaphore_mem>> -> memref<!tpu.dma_semaphore, #tpu.memory_space<semaphore_mem>>
        %dma_wait3A_379 = arith.constant 0 : i32
        %dma_wait3A_380 = arith.constant 0 : i32
        %dma_wait3A_381 = tpu.memref_slice %arg4[%dma_wait3A_379, %dma_wait3A_380] : memref<819200x128xf32, #tpu.memory_space<hbm>> -> memref<128x128xf32, #tpu.memory_space<hbm>>
        %dma_wait3A_382 = arith.constant 0 : i32
        %dma_wait3A_383 = arith.constant 0 : i32
        %dma_wait3A_384 = tpu.memref_slice %arg7[%dma_wait3A_368, %dma_wait3A_382, %dma_wait3A_383] : memref<5x128x128xf32, #tpu.memory_space<vmem>> -> memref<1x128x128xf32, #tpu.memory_space<vmem>>
        %dma_wait3A_385 = tpu.memref_squeeze %dma_wait3A_384 : memref<1x128x128xf32, #tpu.memory_space<vmem>> -> memref<128x128xf32, #tpu.memory_space<vmem>>
        tpu.wait_dma2 semaphore(%dma_wait3A_378 : memref<!tpu.dma_semaphore, #tpu.memory_space<semaphore_mem>>) src(%dma_wait3A_385 : memref<128x128xf32, #tpu.memory_space<vmem>>) dst(%dma_wait3A_381 : memref<128x128xf32, #tpu.memory_space<hbm>>)
      } else {
      }
      %dma_start3A_147 = arith.constant 2 : i32
      %dma_start3A_148 = arith.constant 0 : i32
      %dma_start3A_149 = arith.constant 0 : i32
      %dma_start3A_150 = tpu.memref_slice %arg7[%dma_start3A_147, %dma_start3A_148, %dma_start3A_149] : memref<5x128x128xf32, #tpu.memory_space<vmem>> -> memref<1x128x128xf32, #tpu.memory_space<vmem>>
      %dma_start3A_151 = tpu.memref_squeeze %dma_start3A_150 : memref<1x128x128xf32, #tpu.memory_space<vmem>> -> memref<128x128xf32, #tpu.memory_space<vmem>>
      %dma_start3A_152 = arith.constant 0 : i32
      %dma_start3A_153 = tpu.memref_slice %arg6[%add3A_141, %dma_start3A_152] : memref<200x128xi32, #tpu.memory_space<vmem>> -> memref<1x128xi32, #tpu.memory_space<vmem>>
      %dma_start3A_154 = tpu.memref_squeeze %dma_start3A_153 : memref<1x128xi32, #tpu.memory_space<vmem>> -> memref<128xi32, #tpu.memory_space<vmem>>
      %dma_start3A_155 = arith.constant 0 : i32
      %dma_start3A_156 = arith.constant 0 : i32
      %dma_start3A_157 = tpu.memref_slice %arg5[%dma_start3A_155, %dma_start3A_156] : memref<1000x128xf32, #tpu.memory_space<vmem_shared>> -> memref<1000x128xf32, #tpu.memory_space<vmem_shared>>
      tpu.enqueue_indirect_dma source(%dma_start3A_157 : memref<1000x128xf32, #tpu.memory_space<vmem_shared>>) target(%dma_start3A_151 : memref<128x128xf32, #tpu.memory_space<vmem>>) offsets(%dma_start3A_154 : memref<128xi32, #tpu.memory_space<vmem>>) semaphore(%arg8 : memref<!tpu.dma_semaphore, #tpu.memory_space<semaphore_mem>>)
      %mul3A_158 = arith.constant 5 : i32
      %mul3A_159 = arith.muli %scan3A_99, %mul3A_158 : i32
      %add3A_160 = arith.constant 3 : i32
      %add3A_161 = arith.addi %mul3A_159, %add3A_160 : i32
      %gt3A_162 = arith.constant 0 : i32
      %gt3A_163 = arith.cmpi sgt, %scan3A_99, %gt3A_162 : i32
      %convert_element_type3A_164 = arith.extui %gt3A_163 : i1 to i32
      %cond3A_165 = arith.constant 0 : i32
      %cond3A_166 = arith.cmpi ne, %convert_element_type3A_164, %cond3A_165 : i32
      scf.if %cond3A_166 {
        %dma_wait3A_368 = arith.constant 3 : i32
        %dma_wait3A_369 = arith.constant 3 : i32
        %dma_wait3A_370 = arith.constant 0 : i32
        %dma_wait3A_371 = arith.constant 0 : i32
        %dma_wait3A_372 = tpu.memref_slice %arg7[%dma_wait3A_368, %dma_wait3A_370, %dma_wait3A_371] : memref<5x128x128xf32, #tpu.memory_space<vmem>> -> memref<1x128x128xf32, #tpu.memory_space<vmem>>
        %dma_wait3A_373 = tpu.memref_squeeze %dma_wait3A_372 : memref<1x128x128xf32, #tpu.memory_space<vmem>> -> memref<128x128xf32, #tpu.memory_space<vmem>>
        %dma_wait3A_374 = arith.constant 0 : i32
        %dma_wait3A_375 = arith.constant 0 : i32
        %dma_wait3A_376 = tpu.memref_slice %arg4[%dma_wait3A_374, %dma_wait3A_375] : memref<819200x128xf32, #tpu.memory_space<hbm>> -> memref<128x128xf32, #tpu.memory_space<hbm>>
        %dma_wait3A_377 = tpu.memref_slice %arg9[%dma_wait3A_369] : memref<5x!tpu.dma_semaphore, #tpu.memory_space<semaphore_mem>> -> memref<1x!tpu.dma_semaphore, #tpu.memory_space<semaphore_mem>>
        %dma_wait3A_378 = tpu.memref_squeeze %dma_wait3A_377 : memref<1x!tpu.dma_semaphore, #tpu.memory_space<semaphore_mem>> -> memref<!tpu.dma_semaphore, #tpu.memory_space<semaphore_mem>>
        %dma_wait3A_379 = arith.constant 0 : i32
        %dma_wait3A_380 = arith.constant 0 : i32
        %dma_wait3A_381 = tpu.memref_slice %arg4[%dma_wait3A_379, %dma_wait3A_380] : memref<819200x128xf32, #tpu.memory_space<hbm>> -> memref<128x128xf32, #tpu.memory_space<hbm>>
        %dma_wait3A_382 = arith.constant 0 : i32
        %dma_wait3A_383 = arith.constant 0 : i32
        %dma_wait3A_384 = tpu.memref_slice %arg7[%dma_wait3A_368, %dma_wait3A_382, %dma_wait3A_383] : memref<5x128x128xf32, #tpu.memory_space<vmem>> -> memref<1x128x128xf32, #tpu.memory_space<vmem>>
        %dma_wait3A_385 = tpu.memref_squeeze %dma_wait3A_384 : memref<1x128x128xf32, #tpu.memory_space<vmem>> -> memref<128x128xf32, #tpu.memory_space<vmem>>
        tpu.wait_dma2 semaphore(%dma_wait3A_378 : memref<!tpu.dma_semaphore, #tpu.memory_space<semaphore_mem>>) src(%dma_wait3A_385 : memref<128x128xf32, #tpu.memory_space<vmem>>) dst(%dma_wait3A_381 : memref<128x128xf32, #tpu.memory_space<hbm>>)
      } else {
      }
      %dma_start3A_167 = arith.constant 3 : i32
      %dma_start3A_168 = arith.constant 0 : i32
      %dma_start3A_169 = arith.constant 0 : i32
      %dma_start3A_170 = tpu.memref_slice %arg7[%dma_start3A_167, %dma_start3A_168, %dma_start3A_169] : memref<5x128x128xf32, #tpu.memory_space<vmem>> -> memref<1x128x128xf32, #tpu.memory_space<vmem>>
      %dma_start3A_171 = tpu.memref_squeeze %dma_start3A_170 : memref<1x128x128xf32, #tpu.memory_space<vmem>> -> memref<128x128xf32, #tpu.memory_space<vmem>>
      %dma_start3A_172 = arith.constant 0 : i32
      %dma_start3A_173 = tpu.memref_slice %arg6[%add3A_161, %dma_start3A_172] : memref<200x128xi32, #tpu.memory_space<vmem>> -> memref<1x128xi32, #tpu.memory_space<vmem>>
      %dma_start3A_174 = tpu.memref_squeeze %dma_start3A_173 : memref<1x128xi32, #tpu.memory_space<vmem>> -> memref<128xi32, #tpu.memory_space<vmem>>
      %dma_start3A_175 = arith.constant 0 : i32
      %dma_start3A_176 = arith.constant 0 : i32
      %dma_start3A_177 = tpu.memref_slice %arg5[%dma_start3A_175, %dma_start3A_176] : memref<1000x128xf32, #tpu.memory_space<vmem_shared>> -> memref<1000x128xf32, #tpu.memory_space<vmem_shared>>
      tpu.enqueue_indirect_dma source(%dma_start3A_177 : memref<1000x128xf32, #tpu.memory_space<vmem_shared>>) target(%dma_start3A_171 : memref<128x128xf32, #tpu.memory_space<vmem>>) offsets(%dma_start3A_174 : memref<128xi32, #tpu.memory_space<vmem>>) semaphore(%arg8 : memref<!tpu.dma_semaphore, #tpu.memory_space<semaphore_mem>>)
      %mul3A_178 = arith.constant 5 : i32
      %mul3A_179 = arith.muli %scan3A_99, %mul3A_178 : i32
      %add3A_180 = arith.constant 4 : i32
      %add3A_181 = arith.addi %mul3A_179, %add3A_180 : i32
      %gt3A_182 = arith.constant 0 : i32
      %gt3A_183 = arith.cmpi sgt, %scan3A_99, %gt3A_182 : i32
      %convert_element_type3A_184 = arith.extui %gt3A_183 : i1 to i32
      %cond3A_185 = arith.constant 0 : i32
      %cond3A_186 = arith.cmpi ne, %convert_element_type3A_184, %cond3A_185 : i32
      scf.if %cond3A_186 {
        %dma_wait3A_368 = arith.constant 4 : i32
        %dma_wait3A_369 = arith.constant 4 : i32
        %dma_wait3A_370 = arith.constant 0 : i32
        %dma_wait3A_371 = arith.constant 0 : i32
        %dma_wait3A_372 = tpu.memref_slice %arg7[%dma_wait3A_368, %dma_wait3A_370, %dma_wait3A_371] : memref<5x128x128xf32, #tpu.memory_space<vmem>> -> memref<1x128x128xf32, #tpu.memory_space<vmem>>
        %dma_wait3A_373 = tpu.memref_squeeze %dma_wait3A_372 : memref<1x128x128xf32, #tpu.memory_space<vmem>> -> memref<128x128xf32, #tpu.memory_space<vmem>>
        %dma_wait3A_374 = arith.constant 0 : i32
        %dma_wait3A_375 = arith.constant 0 : i32
        %dma_wait3A_376 = tpu.memref_slice %arg4[%dma_wait3A_374, %dma_wait3A_375] : memref<819200x128xf32, #tpu.memory_space<hbm>> -> memref<128x128xf32, #tpu.memory_space<hbm>>
        %dma_wait3A_377 = tpu.memref_slice %arg9[%dma_wait3A_369] : memref<5x!tpu.dma_semaphore, #tpu.memory_space<semaphore_mem>> -> memref<1x!tpu.dma_semaphore, #tpu.memory_space<semaphore_mem>>
        %dma_wait3A_378 = tpu.memref_squeeze %dma_wait3A_377 : memref<1x!tpu.dma_semaphore, #tpu.memory_space<semaphore_mem>> -> memref<!tpu.dma_semaphore, #tpu.memory_space<semaphore_mem>>
        %dma_wait3A_379 = arith.constant 0 : i32
        %dma_wait3A_380 = arith.constant 0 : i32
        %dma_wait3A_381 = tpu.memref_slice %arg4[%dma_wait3A_379, %dma_wait3A_380] : memref<819200x128xf32, #tpu.memory_space<hbm>> -> memref<128x128xf32, #tpu.memory_space<hbm>>
        %dma_wait3A_382 = arith.constant 0 : i32
        %dma_wait3A_383 = arith.constant 0 : i32
        %dma_wait3A_384 = tpu.memref_slice %arg7[%dma_wait3A_368, %dma_wait3A_382, %dma_wait3A_383] : memref<5x128x128xf32, #tpu.memory_space<vmem>> -> memref<1x128x128xf32, #tpu.memory_space<vmem>>
        %dma_wait3A_385 = tpu.memref_squeeze %dma_wait3A_384 : memref<1x128x128xf32, #tpu.memory_space<vmem>> -> memref<128x128xf32, #tpu.memory_space<vmem>>
        tpu.wait_dma2 semaphore(%dma_wait3A_378 : memref<!tpu.dma_semaphore, #tpu.memory_space<semaphore_mem>>) src(%dma_wait3A_385 : memref<128x128xf32, #tpu.memory_space<vmem>>) dst(%dma_wait3A_381 : memref<128x128xf32, #tpu.memory_space<hbm>>)
      } else {
      }
      %dma_start3A_187 = arith.constant 4 : i32
      %dma_start3A_188 = arith.constant 0 : i32
      %dma_start3A_189 = arith.constant 0 : i32
      %dma_start3A_190 = tpu.memref_slice %arg7[%dma_start3A_187, %dma_start3A_188, %dma_start3A_189] : memref<5x128x128xf32, #tpu.memory_space<vmem>> -> memref<1x128x128xf32, #tpu.memory_space<vmem>>
      %dma_start3A_191 = tpu.memref_squeeze %dma_start3A_190 : memref<1x128x128xf32, #tpu.memory_space<vmem>> -> memref<128x128xf32, #tpu.memory_space<vmem>>
      %dma_start3A_192 = arith.constant 0 : i32
      %dma_start3A_193 = tpu.memref_slice %arg6[%add3A_181, %dma_start3A_192] : memref<200x128xi32, #tpu.memory_space<vmem>> -> memref<1x128xi32, #tpu.memory_space<vmem>>
      %dma_start3A_194 = tpu.memref_squeeze %dma_start3A_193 : memref<1x128xi32, #tpu.memory_space<vmem>> -> memref<128xi32, #tpu.memory_space<vmem>>
      %dma_start3A_195 = arith.constant 0 : i32
      %dma_start3A_196 = arith.constant 0 : i32
      %dma_start3A_197 = tpu.memref_slice %arg5[%dma_start3A_195, %dma_start3A_196] : memref<1000x128xf32, #tpu.memory_space<vmem_shared>> -> memref<1000x128xf32, #tpu.memory_space<vmem_shared>>
      tpu.enqueue_indirect_dma source(%dma_start3A_197 : memref<1000x128xf32, #tpu.memory_space<vmem_shared>>) target(%dma_start3A_191 : memref<128x128xf32, #tpu.memory_space<vmem>>) offsets(%dma_start3A_194 : memref<128xi32, #tpu.memory_space<vmem>>) semaphore(%arg8 : memref<!tpu.dma_semaphore, #tpu.memory_space<semaphore_mem>>)
      %mul3A_198 = arith.constant 5 : i32
      %mul3A_199 = arith.muli %scan3A_99, %mul3A_198 : i32
      %add3A_200 = arith.constant 0 : i32
      %add3A_201 = arith.addi %mul3A_199, %add3A_200 : i32
      %dma_wait3A_202 = arith.constant 0 : i32
      %dma_wait3A_203 = arith.constant 0 : i32
      %dma_wait3A_204 = arith.constant 0 : i32
      %dma_wait3A_205 = tpu.memref_slice %arg7[%dma_wait3A_202, %dma_wait3A_203, %dma_wait3A_204] : memref<5x128x128xf32, #tpu.memory_space<vmem>> -> memref<1x128x128xf32, #tpu.memory_space<vmem>>
      %dma_wait3A_206 = tpu.memref_squeeze %dma_wait3A_205 : memref<1x128x128xf32, #tpu.memory_space<vmem>> -> memref<128x128xf32, #tpu.memory_space<vmem>>
      %dma_wait3A_207 = arith.constant 0 : i32
      %dma_wait3A_208 = tpu.memref_slice %arg6[%add3A_103, %dma_wait3A_207] : memref<200x128xi32, #tpu.memory_space<vmem>> -> memref<1x128xi32, #tpu.memory_space<vmem>>
      %dma_wait3A_209 = tpu.memref_squeeze %dma_wait3A_208 : memref<1x128xi32, #tpu.memory_space<vmem>> -> memref<128xi32, #tpu.memory_space<vmem>>
      %dma_wait3A_210 = arith.constant 0 : i32
      %dma_wait3A_211 = arith.constant 0 : i32
      %dma_wait3A_212 = tpu.memref_slice %arg5[%dma_wait3A_210, %dma_wait3A_211] : memref<1000x128xf32, #tpu.memory_space<vmem_shared>> -> memref<1000x128xf32, #tpu.memory_space<vmem_shared>>
      tpu.wait_indirect_dma semaphore(%arg8 : memref<!tpu.dma_semaphore, #tpu.memory_space<semaphore_mem>>) src(%dma_wait3A_212 : memref<1000x128xf32, #tpu.memory_space<vmem_shared>>) dst(%dma_wait3A_206 : memref<128x128xf32, #tpu.memory_space<vmem>>)
      %add3A_213 = arith.addi %mul3A_2, %add3A_201 : i32
      %mul3A_214 = arith.constant 128 : i32
      %mul3A_215 = arith.muli %add3A_213, %mul3A_214 : i32
      %dma_start3A_216 = arith.constant 0 : i32
      %dma_start3A_217 = arith.constant 0 : i32
      %dma_start3A_218 = arith.constant 0 : i32
      %dma_start3A_219 = arith.constant 0 : i32
      %dma_start3A_220 = tpu.memref_slice %arg7[%dma_start3A_216, %dma_start3A_218, %dma_start3A_219] : memref<5x128x128xf32, #tpu.memory_space<vmem>> -> memref<1x128x128xf32, #tpu.memory_space<vmem>>
      %dma_start3A_221 = tpu.memref_squeeze %dma_start3A_220 : memref<1x128x128xf32, #tpu.memory_space<vmem>> -> memref<128x128xf32, #tpu.memory_space<vmem>>
      %dma_start3A_222 = arith.constant 0 : i32
      %dma_start3A_223 = tpu.memref_slice %arg4[%mul3A_215, %dma_start3A_222] : memref<819200x128xf32, #tpu.memory_space<hbm>> -> memref<128x128xf32, #tpu.memory_space<hbm>>
      %dma_start3A_224 = tpu.memref_slice %arg9[%dma_start3A_217] : memref<5x!tpu.dma_semaphore, #tpu.memory_space<semaphore_mem>> -> memref<1x!tpu.dma_semaphore, #tpu.memory_space<semaphore_mem>>
      %dma_start3A_225 = tpu.memref_squeeze %dma_start3A_224 : memref<1x!tpu.dma_semaphore, #tpu.memory_space<semaphore_mem>> -> memref<!tpu.dma_semaphore, #tpu.memory_space<semaphore_mem>>
      %dma_start3A_226 = arith.constant 0 : i32
      %dma_start3A_227 = tpu.memref_slice %arg4[%mul3A_215, %dma_start3A_226] : memref<819200x128xf32, #tpu.memory_space<hbm>> -> memref<128x128xf32, #tpu.memory_space<hbm>>
      %dma_start3A_228 = arith.constant 0 : i32
      %dma_start3A_229 = arith.constant 0 : i32
      %dma_start3A_230 = tpu.memref_slice %arg7[%dma_start3A_216, %dma_start3A_228, %dma_start3A_229] : memref<5x128x128xf32, #tpu.memory_space<vmem>> -> memref<1x128x128xf32, #tpu.memory_space<vmem>>
      %dma_start3A_231 = tpu.memref_squeeze %dma_start3A_230 : memref<1x128x128xf32, #tpu.memory_space<vmem>> -> memref<128x128xf32, #tpu.memory_space<vmem>>
      tpu.enqueue_dma source(%dma_start3A_231 : memref<128x128xf32, #tpu.memory_space<vmem>>) target(%dma_start3A_227 : memref<128x128xf32, #tpu.memory_space<hbm>>) target_semaphore(%dma_start3A_225 : memref<!tpu.dma_semaphore, #tpu.memory_space<semaphore_mem>>)
      %mul3A_232 = arith.constant 5 : i32
      %mul3A_233 = arith.muli %scan3A_99, %mul3A_232 : i32
      %add3A_234 = arith.constant 1 : i32
      %add3A_235 = arith.addi %mul3A_233, %add3A_234 : i32
      %dma_wait3A_236 = arith.constant 1 : i32
      %dma_wait3A_237 = arith.constant 0 : i32
      %dma_wait3A_238 = arith.constant 0 : i32
      %dma_wait3A_239 = tpu.memref_slice %arg7[%dma_wait3A_236, %dma_wait3A_237, %dma_wait3A_238] : memref<5x128x128xf32, #tpu.memory_space<vmem>> -> memref<1x128x128xf32, #tpu.memory_space<vmem>>
      %dma_wait3A_240 = tpu.memref_squeeze %dma_wait3A_239 : memref<1x128x128xf32, #tpu.memory_space<vmem>> -> memref<128x128xf32, #tpu.memory_space<vmem>>
      %dma_wait3A_241 = arith.constant 0 : i32
      %dma_wait3A_242 = tpu.memref_slice %arg6[%add3A_121, %dma_wait3A_241] : memref<200x128xi32, #tpu.memory_space<vmem>> -> memref<1x128xi32, #tpu.memory_space<vmem>>
      %dma_wait3A_243 = tpu.memref_squeeze %dma_wait3A_242 : memref<1x128xi32, #tpu.memory_space<vmem>> -> memref<128xi32, #tpu.memory_space<vmem>>
      %dma_wait3A_244 = arith.constant 0 : i32
      %dma_wait3A_245 = arith.constant 0 : i32
      %dma_wait3A_246 = tpu.memref_slice %arg5[%dma_wait3A_244, %dma_wait3A_245] : memref<1000x128xf32, #tpu.memory_space<vmem_shared>> -> memref<1000x128xf32, #tpu.memory_space<vmem_shared>>
      tpu.wait_indirect_dma semaphore(%arg8 : memref<!tpu.dma_semaphore, #tpu.memory_space<semaphore_mem>>) src(%dma_wait3A_246 : memref<1000x128xf32, #tpu.memory_space<vmem_shared>>) dst(%dma_wait3A_240 : memref<128x128xf32, #tpu.memory_space<vmem>>)
      %add3A_247 = arith.addi %mul3A_2, %add3A_235 : i32
      %mul3A_248 = arith.constant 128 : i32
      %mul3A_249 = arith.muli %add3A_247, %mul3A_248 : i32
      %dma_start3A_250 = arith.constant 1 : i32
      %dma_start3A_251 = arith.constant 1 : i32
      %dma_start3A_252 = arith.constant 0 : i32
      %dma_start3A_253 = arith.constant 0 : i32
      %dma_start3A_254 = tpu.memref_slice %arg7[%dma_start3A_250, %dma_start3A_252, %dma_start3A_253] : memref<5x128x128xf32, #tpu.memory_space<vmem>> -> memref<1x128x128xf32, #tpu.memory_space<vmem>>
      %dma_start3A_255 = tpu.memref_squeeze %dma_start3A_254 : memref<1x128x128xf32, #tpu.memory_space<vmem>> -> memref<128x128xf32, #tpu.memory_space<vmem>>
      %dma_start3A_256 = arith.constant 0 : i32
      %dma_start3A_257 = tpu.memref_slice %arg4[%mul3A_249, %dma_start3A_256] : memref<819200x128xf32, #tpu.memory_space<hbm>> -> memref<128x128xf32, #tpu.memory_space<hbm>>
      %dma_start3A_258 = tpu.memref_slice %arg9[%dma_start3A_251] : memref<5x!tpu.dma_semaphore, #tpu.memory_space<semaphore_mem>> -> memref<1x!tpu.dma_semaphore, #tpu.memory_space<semaphore_mem>>
      %dma_start3A_259 = tpu.memref_squeeze %dma_start3A_258 : memref<1x!tpu.dma_semaphore, #tpu.memory_space<semaphore_mem>> -> memref<!tpu.dma_semaphore, #tpu.memory_space<semaphore_mem>>
      %dma_start3A_260 = arith.constant 0 : i32
      %dma_start3A_261 = tpu.memref_slice %arg4[%mul3A_249, %dma_start3A_260] : memref<819200x128xf32, #tpu.memory_space<hbm>> -> memref<128x128xf32, #tpu.memory_space<hbm>>
      %dma_start3A_262 = arith.constant 0 : i32
      %dma_start3A_263 = arith.constant 0 : i32
      %dma_start3A_264 = tpu.memref_slice %arg7[%dma_start3A_250, %dma_start3A_262, %dma_start3A_263] : memref<5x128x128xf32, #tpu.memory_space<vmem>> -> memref<1x128x128xf32, #tpu.memory_space<vmem>>
      %dma_start3A_265 = tpu.memref_squeeze %dma_start3A_264 : memref<1x128x128xf32, #tpu.memory_space<vmem>> -> memref<128x128xf32, #tpu.memory_space<vmem>>
      tpu.enqueue_dma source(%dma_start3A_265 : memref<128x128xf32, #tpu.memory_space<vmem>>) target(%dma_start3A_261 : memref<128x128xf32, #tpu.memory_space<hbm>>) target_semaphore(%dma_start3A_259 : memref<!tpu.dma_semaphore, #tpu.memory_space<semaphore_mem>>)
      %mul3A_266 = arith.constant 5 : i32
      %mul3A_267 = arith.muli %scan3A_99, %mul3A_266 : i32
      %add3A_268 = arith.constant 2 : i32
      %add3A_269 = arith.addi %mul3A_267, %add3A_268 : i32
      %dma_wait3A_270 = arith.constant 2 : i32
      %dma_wait3A_271 = arith.constant 0 : i32
      %dma_wait3A_272 = arith.constant 0 : i32
      %dma_wait3A_273 = tpu.memref_slice %arg7[%dma_wait3A_270, %dma_wait3A_271, %dma_wait3A_272] : memref<5x128x128xf32, #tpu.memory_space<vmem>> -> memref<1x128x128xf32, #tpu.memory_space<vmem>>
      %dma_wait3A_274 = tpu.memref_squeeze %dma_wait3A_273 : memref<1x128x128xf32, #tpu.memory_space<vmem>> -> memref<128x128xf32, #tpu.memory_space<vmem>>
      %dma_wait3A_275 = arith.constant 0 : i32
      %dma_wait3A_276 = tpu.memref_slice %arg6[%add3A_141, %dma_wait3A_275] : memref<200x128xi32, #tpu.memory_space<vmem>> -> memref<1x128xi32, #tpu.memory_space<vmem>>
      %dma_wait3A_277 = tpu.memref_squeeze %dma_wait3A_276 : memref<1x128xi32, #tpu.memory_space<vmem>> -> memref<128xi32, #tpu.memory_space<vmem>>
      %dma_wait3A_278 = arith.constant 0 : i32
      %dma_wait3A_279 = arith.constant 0 : i32
      %dma_wait3A_280 = tpu.memref_slice %arg5[%dma_wait3A_278, %dma_wait3A_279] : memref<1000x128xf32, #tpu.memory_space<vmem_shared>> -> memref<1000x128xf32, #tpu.memory_space<vmem_shared>>
      tpu.wait_indirect_dma semaphore(%arg8 : memref<!tpu.dma_semaphore, #tpu.memory_space<semaphore_mem>>) src(%dma_wait3A_280 : memref<1000x128xf32, #tpu.memory_space<vmem_shared>>) dst(%dma_wait3A_274 : memref<128x128xf32, #tpu.memory_space<vmem>>)
      %add3A_281 = arith.addi %mul3A_2, %add3A_269 : i32
      %mul3A_282 = arith.constant 128 : i32
      %mul3A_283 = arith.muli %add3A_281, %mul3A_282 : i32
      %dma_start3A_284 = arith.constant 2 : i32
      %dma_start3A_285 = arith.constant 2 : i32
      %dma_start3A_286 = arith.constant 0 : i32
      %dma_start3A_287 = arith.constant 0 : i32
      %dma_start3A_288 = tpu.memref_slice %arg7[%dma_start3A_284, %dma_start3A_286, %dma_start3A_287] : memref<5x128x128xf32, #tpu.memory_space<vmem>> -> memref<1x128x128xf32, #tpu.memory_space<vmem>>
      %dma_start3A_289 = tpu.memref_squeeze %dma_start3A_288 : memref<1x128x128xf32, #tpu.memory_space<vmem>> -> memref<128x128xf32, #tpu.memory_space<vmem>>
      %dma_start3A_290 = arith.constant 0 : i32
      %dma_start3A_291 = tpu.memref_slice %arg4[%mul3A_283, %dma_start3A_290] : memref<819200x128xf32, #tpu.memory_space<hbm>> -> memref<128x128xf32, #tpu.memory_space<hbm>>
      %dma_start3A_292 = tpu.memref_slice %arg9[%dma_start3A_285] : memref<5x!tpu.dma_semaphore, #tpu.memory_space<semaphore_mem>> -> memref<1x!tpu.dma_semaphore, #tpu.memory_space<semaphore_mem>>
      %dma_start3A_293 = tpu.memref_squeeze %dma_start3A_292 : memref<1x!tpu.dma_semaphore, #tpu.memory_space<semaphore_mem>> -> memref<!tpu.dma_semaphore, #tpu.memory_space<semaphore_mem>>
      %dma_start3A_294 = arith.constant 0 : i32
      %dma_start3A_295 = tpu.memref_slice %arg4[%mul3A_283, %dma_start3A_294] : memref<819200x128xf32, #tpu.memory_space<hbm>> -> memref<128x128xf32, #tpu.memory_space<hbm>>
      %dma_start3A_296 = arith.constant 0 : i32
      %dma_start3A_297 = arith.constant 0 : i32
      %dma_start3A_298 = tpu.memref_slice %arg7[%dma_start3A_284, %dma_start3A_296, %dma_start3A_297] : memref<5x128x128xf32, #tpu.memory_space<vmem>> -> memref<1x128x128xf32, #tpu.memory_space<vmem>>
      %dma_start3A_299 = tpu.memref_squeeze %dma_start3A_298 : memref<1x128x128xf32, #tpu.memory_space<vmem>> -> memref<128x128xf32, #tpu.memory_space<vmem>>
      tpu.enqueue_dma source(%dma_start3A_299 : memref<128x128xf32, #tpu.memory_space<vmem>>) target(%dma_start3A_295 : memref<128x128xf32, #tpu.memory_space<hbm>>) target_semaphore(%dma_start3A_293 : memref<!tpu.dma_semaphore, #tpu.memory_space<semaphore_mem>>)
      %mul3A_300 = arith.constant 5 : i32
      %mul3A_301 = arith.muli %scan3A_99, %mul3A_300 : i32
      %add3A_302 = arith.constant 3 : i32
      %add3A_303 = arith.addi %mul3A_301, %add3A_302 : i32
      %dma_wait3A_304 = arith.constant 3 : i32
      %dma_wait3A_305 = arith.constant 0 : i32
      %dma_wait3A_306 = arith.constant 0 : i32
      %dma_wait3A_307 = tpu.memref_slice %arg7[%dma_wait3A_304, %dma_wait3A_305, %dma_wait3A_306] : memref<5x128x128xf32, #tpu.memory_space<vmem>> -> memref<1x128x128xf32, #tpu.memory_space<vmem>>
      %dma_wait3A_308 = tpu.memref_squeeze %dma_wait3A_307 : memref<1x128x128xf32, #tpu.memory_space<vmem>> -> memref<128x128xf32, #tpu.memory_space<vmem>>
      %dma_wait3A_309 = arith.constant 0 : i32
      %dma_wait3A_310 = tpu.memref_slice %arg6[%add3A_161, %dma_wait3A_309] : memref<200x128xi32, #tpu.memory_space<vmem>> -> memref<1x128xi32, #tpu.memory_space<vmem>>
      %dma_wait3A_311 = tpu.memref_squeeze %dma_wait3A_310 : memref<1x128xi32, #tpu.memory_space<vmem>> -> memref<128xi32, #tpu.memory_space<vmem>>
      %dma_wait3A_312 = arith.constant 0 : i32
      %dma_wait3A_313 = arith.constant 0 : i32
      %dma_wait3A_314 = tpu.memref_slice %arg5[%dma_wait3A_312, %dma_wait3A_313] : memref<1000x128xf32, #tpu.memory_space<vmem_shared>> -> memref<1000x128xf32, #tpu.memory_space<vmem_shared>>
      tpu.wait_indirect_dma semaphore(%arg8 : memref<!tpu.dma_semaphore, #tpu.memory_space<semaphore_mem>>) src(%dma_wait3A_314 : memref<1000x128xf32, #tpu.memory_space<vmem_shared>>) dst(%dma_wait3A_308 : memref<128x128xf32, #tpu.memory_space<vmem>>)
      %add3A_315 = arith.addi %mul3A_2, %add3A_303 : i32
      %mul3A_316 = arith.constant 128 : i32
      %mul3A_317 = arith.muli %add3A_315, %mul3A_316 : i32
      %dma_start3A_318 = arith.constant 3 : i32
      %dma_start3A_319 = arith.constant 3 : i32
      %dma_start3A_320 = arith.constant 0 : i32
      %dma_start3A_321 = arith.constant 0 : i32
      %dma_start3A_322 = tpu.memref_slice %arg7[%dma_start3A_318, %dma_start3A_320, %dma_start3A_321] : memref<5x128x128xf32, #tpu.memory_space<vmem>> -> memref<1x128x128xf32, #tpu.memory_space<vmem>>
      %dma_start3A_323 = tpu.memref_squeeze %dma_start3A_322 : memref<1x128x128xf32, #tpu.memory_space<vmem>> -> memref<128x128xf32, #tpu.memory_space<vmem>>
      %dma_start3A_324 = arith.constant 0 : i32
      %dma_start3A_325 = tpu.memref_slice %arg4[%mul3A_317, %dma_start3A_324] : memref<819200x128xf32, #tpu.memory_space<hbm>> -> memref<128x128xf32, #tpu.memory_space<hbm>>
      %dma_start3A_326 = tpu.memref_slice %arg9[%dma_start3A_319] : memref<5x!tpu.dma_semaphore, #tpu.memory_space<semaphore_mem>> -> memref<1x!tpu.dma_semaphore, #tpu.memory_space<semaphore_mem>>
      %dma_start3A_327 = tpu.memref_squeeze %dma_start3A_326 : memref<1x!tpu.dma_semaphore, #tpu.memory_space<semaphore_mem>> -> memref<!tpu.dma_semaphore, #tpu.memory_space<semaphore_mem>>
      %dma_start3A_328 = arith.constant 0 : i32
      %dma_start3A_329 = tpu.memref_slice %arg4[%mul3A_317, %dma_start3A_328] : memref<819200x128xf32, #tpu.memory_space<hbm>> -> memref<128x128xf32, #tpu.memory_space<hbm>>
      %dma_start3A_330 = arith.constant 0 : i32
      %dma_start3A_331 = arith.constant 0 : i32
      %dma_start3A_332 = tpu.memref_slice %arg7[%dma_start3A_318, %dma_start3A_330, %dma_start3A_331] : memref<5x128x128xf32, #tpu.memory_space<vmem>> -> memref<1x128x128xf32, #tpu.memory_space<vmem>>
      %dma_start3A_333 = tpu.memref_squeeze %dma_start3A_332 : memref<1x128x128xf32, #tpu.memory_space<vmem>> -> memref<128x128xf32, #tpu.memory_space<vmem>>
      tpu.enqueue_dma source(%dma_start3A_333 : memref<128x128xf32, #tpu.memory_space<vmem>>) target(%dma_start3A_329 : memref<128x128xf32, #tpu.memory_space<hbm>>) target_semaphore(%dma_start3A_327 : memref<!tpu.dma_semaphore, #tpu.memory_space<semaphore_mem>>)
      %mul3A_334 = arith.constant 5 : i32
      %mul3A_335 = arith.muli %scan3A_99, %mul3A_334 : i32
      %add3A_336 = arith.constant 4 : i32
      %add3A_337 = arith.addi %mul3A_335, %add3A_336 : i32
      %dma_wait3A_338 = arith.constant 4 : i32
      %dma_wait3A_339 = arith.constant 0 : i32
      %dma_wait3A_340 = arith.constant 0 : i32
      %dma_wait3A_341 = tpu.memref_slice %arg7[%dma_wait3A_338, %dma_wait3A_339, %dma_wait3A_340] : memref<5x128x128xf32, #tpu.memory_space<vmem>> -> memref<1x128x128xf32, #tpu.memory_space<vmem>>
      %dma_wait3A_342 = tpu.memref_squeeze %dma_wait3A_341 : memref<1x128x128xf32, #tpu.memory_space<vmem>> -> memref<128x128xf32, #tpu.memory_space<vmem>>
      %dma_wait3A_343 = arith.constant 0 : i32
      %dma_wait3A_344 = tpu.memref_slice %arg6[%add3A_181, %dma_wait3A_343] : memref<200x128xi32, #tpu.memory_space<vmem>> -> memref<1x128xi32, #tpu.memory_space<vmem>>
      %dma_wait3A_345 = tpu.memref_squeeze %dma_wait3A_344 : memref<1x128xi32, #tpu.memory_space<vmem>> -> memref<128xi32, #tpu.memory_space<vmem>>
      %dma_wait3A_346 = arith.constant 0 : i32
      %dma_wait3A_347 = arith.constant 0 : i32
      %dma_wait3A_348 = tpu.memref_slice %arg5[%dma_wait3A_346, %dma_wait3A_347] : memref<1000x128xf32, #tpu.memory_space<vmem_shared>> -> memref<1000x128xf32, #tpu.memory_space<vmem_shared>>
      tpu.wait_indirect_dma semaphore(%arg8 : memref<!tpu.dma_semaphore, #tpu.memory_space<semaphore_mem>>) src(%dma_wait3A_348 : memref<1000x128xf32, #tpu.memory_space<vmem_shared>>) dst(%dma_wait3A_342 : memref<128x128xf32, #tpu.memory_space<vmem>>)
      %add3A_349 = arith.addi %mul3A_2, %add3A_337 : i32
      %mul3A_350 = arith.constant 128 : i32
      %mul3A_351 = arith.muli %add3A_349, %mul3A_350 : i32
      %dma_start3A_352 = arith.constant 4 : i32
      %dma_start3A_353 = arith.constant 4 : i32
      %dma_start3A_354 = arith.constant 0 : i32
      %dma_start3A_355 = arith.constant 0 : i32
      %dma_start3A_356 = tpu.memref_slice %arg7[%dma_start3A_352, %dma_start3A_354, %dma_start3A_355] : memref<5x128x128xf32, #tpu.memory_space<vmem>> -> memref<1x128x128xf32, #tpu.memory_space<vmem>>
      %dma_start3A_357 = tpu.memref_squeeze %dma_start3A_356 : memref<1x128x128xf32, #tpu.memory_space<vmem>> -> memref<128x128xf32, #tpu.memory_space<vmem>>
      %dma_start3A_358 = arith.constant 0 : i32
      %dma_start3A_359 = tpu.memref_slice %arg4[%mul3A_351, %dma_start3A_358] : memref<819200x128xf32, #tpu.memory_space<hbm>> -> memref<128x128xf32, #tpu.memory_space<hbm>>
      %dma_start3A_360 = tpu.memref_slice %arg9[%dma_start3A_353] : memref<5x!tpu.dma_semaphore, #tpu.memory_space<semaphore_mem>> -> memref<1x!tpu.dma_semaphore, #tpu.memory_space<semaphore_mem>>
      %dma_start3A_361 = tpu.memref_squeeze %dma_start3A_360 : memref<1x!tpu.dma_semaphore, #tpu.memory_space<semaphore_mem>> -> memref<!tpu.dma_semaphore, #tpu.memory_space<semaphore_mem>>
      %dma_start3A_362 = arith.constant 0 : i32
      %dma_start3A_363 = tpu.memref_slice %arg4[%mul3A_351, %dma_start3A_362] : memref<819200x128xf32, #tpu.memory_space<hbm>> -> memref<128x128xf32, #tpu.memory_space<hbm>>
      %dma_start3A_364 = arith.constant 0 : i32
      %dma_start3A_365 = arith.constant 0 : i32
      %dma_start3A_366 = tpu.memref_slice %arg7[%dma_start3A_352, %dma_start3A_364, %dma_start3A_365] : memref<5x128x128xf32, #tpu.memory_space<vmem>> -> memref<1x128x128xf32, #tpu.memory_space<vmem>>
      %dma_start3A_367 = tpu.memref_squeeze %dma_start3A_366 : memref<1x128x128xf32, #tpu.memory_space<vmem>> -> memref<128x128xf32, #tpu.memory_space<vmem>>
      tpu.enqueue_dma source(%dma_start3A_367 : memref<128x128xf32, #tpu.memory_space<vmem>>) target(%dma_start3A_363 : memref<128x128xf32, #tpu.memory_space<hbm>>) target_semaphore(%dma_start3A_361 : memref<!tpu.dma_semaphore, #tpu.memory_space<semaphore_mem>>)
    }
    %scan3A_9 = arith.constant 40 : i32
    %dma_wait3A = arith.constant 0 : i32
    %dma_wait3A_10 = arith.constant 0 : i32
    %dma_wait3A_11 = arith.constant 0 : i32
    %dma_wait3A_12 = arith.constant 0 : i32
    %dma_wait3A_13 = tpu.memref_slice %arg7[%dma_wait3A, %dma_wait3A_11, %dma_wait3A_12] : memref<5x128x128xf32, #tpu.memory_space<vmem>> -> memref<1x128x128xf32, #tpu.memory_space<vmem>>
    %dma_wait3A_14 = tpu.memref_squeeze %dma_wait3A_13 : memref<1x128x128xf32, #tpu.memory_space<vmem>> -> memref<128x128xf32, #tpu.memory_space<vmem>>
    %dma_wait3A_15 = arith.constant 0 : i32
    %dma_wait3A_16 = arith.constant 0 : i32
    %dma_wait3A_17 = tpu.memref_slice %arg4[%dma_wait3A_15, %dma_wait3A_16] : memref<819200x128xf32, #tpu.memory_space<hbm>> -> memref<128x128xf32, #tpu.memory_space<hbm>>
    %dma_wait3A_18 = tpu.memref_slice %arg9[%dma_wait3A_10] : memref<5x!tpu.dma_semaphore, #tpu.memory_space<semaphore_mem>> -> memref<1x!tpu.dma_semaphore, #tpu.memory_space<semaphore_mem>>
    %dma_wait3A_19 = tpu.memref_squeeze %dma_wait3A_18 : memref<1x!tpu.dma_semaphore, #tpu.memory_space<semaphore_mem>> -> memref<!tpu.dma_semaphore, #tpu.memory_space<semaphore_mem>>
    %dma_wait3A_20 = arith.constant 0 : i32
    %dma_wait3A_21 = arith.constant 0 : i32
    %dma_wait3A_22 = tpu.memref_slice %arg4[%dma_wait3A_20, %dma_wait3A_21] : memref<819200x128xf32, #tpu.memory_space<hbm>> -> memref<128x128xf32, #tpu.memory_space<hbm>>
    %dma_wait3A_23 = arith.constant 0 : i32
    %dma_wait3A_24 = arith.constant 0 : i32
    %dma_wait3A_25 = tpu.memref_slice %arg7[%dma_wait3A, %dma_wait3A_23, %dma_wait3A_24] : memref<5x128x128xf32, #tpu.memory_space<vmem>> -> memref<1x128x128xf32, #tpu.memory_space<vmem>>
    %dma_wait3A_26 = tpu.memref_squeeze %dma_wait3A_25 : memref<1x128x128xf32, #tpu.memory_space<vmem>> -> memref<128x128xf32, #tpu.memory_space<vmem>>
    tpu.wait_dma2 semaphore(%dma_wait3A_19 : memref<!tpu.dma_semaphore, #tpu.memory_space<semaphore_mem>>) src(%dma_wait3A_26 : memref<128x128xf32, #tpu.memory_space<vmem>>) dst(%dma_wait3A_22 : memref<128x128xf32, #tpu.memory_space<hbm>>)
    %dma_wait3A_27 = arith.constant 1 : i32
    %dma_wait3A_28 = arith.constant 1 : i32
    %dma_wait3A_29 = arith.constant 0 : i32
    %dma_wait3A_30 = arith.constant 0 : i32
    %dma_wait3A_31 = tpu.memref_slice %arg7[%dma_wait3A_27, %dma_wait3A_29, %dma_wait3A_30] : memref<5x128x128xf32, #tpu.memory_space<vmem>> -> memref<1x128x128xf32, #tpu.memory_space<vmem>>
    %dma_wait3A_32 = tpu.memref_squeeze %dma_wait3A_31 : memref<1x128x128xf32, #tpu.memory_space<vmem>> -> memref<128x128xf32, #tpu.memory_space<vmem>>
    %dma_wait3A_33 = arith.constant 0 : i32
    %dma_wait3A_34 = arith.constant 0 : i32
    %dma_wait3A_35 = tpu.memref_slice %arg4[%dma_wait3A_33, %dma_wait3A_34] : memref<819200x128xf32, #tpu.memory_space<hbm>> -> memref<128x128xf32, #tpu.memory_space<hbm>>
    %dma_wait3A_36 = tpu.memref_slice %arg9[%dma_wait3A_28] : memref<5x!tpu.dma_semaphore, #tpu.memory_space<semaphore_mem>> -> memref<1x!tpu.dma_semaphore, #tpu.memory_space<semaphore_mem>>
    %dma_wait3A_37 = tpu.memref_squeeze %dma_wait3A_36 : memref<1x!tpu.dma_semaphore, #tpu.memory_space<semaphore_mem>> -> memref<!tpu.dma_semaphore, #tpu.memory_space<semaphore_mem>>
    %dma_wait3A_38 = arith.constant 0 : i32
    %dma_wait3A_39 = arith.constant 0 : i32
    %dma_wait3A_40 = tpu.memref_slice %arg4[%dma_wait3A_38, %dma_wait3A_39] : memref<819200x128xf32, #tpu.memory_space<hbm>> -> memref<128x128xf32, #tpu.memory_space<hbm>>
    %dma_wait3A_41 = arith.constant 0 : i32
    %dma_wait3A_42 = arith.constant 0 : i32
    %dma_wait3A_43 = tpu.memref_slice %arg7[%dma_wait3A_27, %dma_wait3A_41, %dma_wait3A_42] : memref<5x128x128xf32, #tpu.memory_space<vmem>> -> memref<1x128x128xf32, #tpu.memory_space<vmem>>
    %dma_wait3A_44 = tpu.memref_squeeze %dma_wait3A_43 : memref<1x128x128xf32, #tpu.memory_space<vmem>> -> memref<128x128xf32, #tpu.memory_space<vmem>>
    tpu.wait_dma2 semaphore(%dma_wait3A_37 : memref<!tpu.dma_semaphore, #tpu.memory_space<semaphore_mem>>) src(%dma_wait3A_44 : memref<128x128xf32, #tpu.memory_space<vmem>>) dst(%dma_wait3A_40 : memref<128x128xf32, #tpu.memory_space<hbm>>)
    %dma_wait3A_45 = arith.constant 2 : i32
    %dma_wait3A_46 = arith.constant 2 : i32
    %dma_wait3A_47 = arith.constant 0 : i32
    %dma_wait3A_48 = arith.constant 0 : i32
    %dma_wait3A_49 = tpu.memref_slice %arg7[%dma_wait3A_45, %dma_wait3A_47, %dma_wait3A_48] : memref<5x128x128xf32, #tpu.memory_space<vmem>> -> memref<1x128x128xf32, #tpu.memory_space<vmem>>
    %dma_wait3A_50 = tpu.memref_squeeze %dma_wait3A_49 : memref<1x128x128xf32, #tpu.memory_space<vmem>> -> memref<128x128xf32, #tpu.memory_space<vmem>>
    %dma_wait3A_51 = arith.constant 0 : i32
    %dma_wait3A_52 = arith.constant 0 : i32
    %dma_wait3A_53 = tpu.memref_slice %arg4[%dma_wait3A_51, %dma_wait3A_52] : memref<819200x128xf32, #tpu.memory_space<hbm>> -> memref<128x128xf32, #tpu.memory_space<hbm>>
    %dma_wait3A_54 = tpu.memref_slice %arg9[%dma_wait3A_46] : memref<5x!tpu.dma_semaphore, #tpu.memory_space<semaphore_mem>> -> memref<1x!tpu.dma_semaphore, #tpu.memory_space<semaphore_mem>>
    %dma_wait3A_55 = tpu.memref_squeeze %dma_wait3A_54 : memref<1x!tpu.dma_semaphore, #tpu.memory_space<semaphore_mem>> -> memref<!tpu.dma_semaphore, #tpu.memory_space<semaphore_mem>>
    %dma_wait3A_56 = arith.constant 0 : i32
    %dma_wait3A_57 = arith.constant 0 : i32
    %dma_wait3A_58 = tpu.memref_slice %arg4[%dma_wait3A_56, %dma_wait3A_57] : memref<819200x128xf32, #tpu.memory_space<hbm>> -> memref<128x128xf32, #tpu.memory_space<hbm>>
    %dma_wait3A_59 = arith.constant 0 : i32
    %dma_wait3A_60 = arith.constant 0 : i32
    %dma_wait3A_61 = tpu.memref_slice %arg7[%dma_wait3A_45, %dma_wait3A_59, %dma_wait3A_60] : memref<5x128x128xf32, #tpu.memory_space<vmem>> -> memref<1x128x128xf32, #tpu.memory_space<vmem>>
    %dma_wait3A_62 = tpu.memref_squeeze %dma_wait3A_61 : memref<1x128x128xf32, #tpu.memory_space<vmem>> -> memref<128x128xf32, #tpu.memory_space<vmem>>
    tpu.wait_dma2 semaphore(%dma_wait3A_55 : memref<!tpu.dma_semaphore, #tpu.memory_space<semaphore_mem>>) src(%dma_wait3A_62 : memref<128x128xf32, #tpu.memory_space<vmem>>) dst(%dma_wait3A_58 : memref<128x128xf32, #tpu.memory_space<hbm>>)
    %dma_wait3A_63 = arith.constant 3 : i32
    %dma_wait3A_64 = arith.constant 3 : i32
    %dma_wait3A_65 = arith.constant 0 : i32
    %dma_wait3A_66 = arith.constant 0 : i32
    %dma_wait3A_67 = tpu.memref_slice %arg7[%dma_wait3A_63, %dma_wait3A_65, %dma_wait3A_66] : memref<5x128x128xf32, #tpu.memory_space<vmem>> -> memref<1x128x128xf32, #tpu.memory_space<vmem>>
    %dma_wait3A_68 = tpu.memref_squeeze %dma_wait3A_67 : memref<1x128x128xf32, #tpu.memory_space<vmem>> -> memref<128x128xf32, #tpu.memory_space<vmem>>
    %dma_wait3A_69 = arith.constant 0 : i32
    %dma_wait3A_70 = arith.constant 0 : i32
    %dma_wait3A_71 = tpu.memref_slice %arg4[%dma_wait3A_69, %dma_wait3A_70] : memref<819200x128xf32, #tpu.memory_space<hbm>> -> memref<128x128xf32, #tpu.memory_space<hbm>>
    %dma_wait3A_72 = tpu.memref_slice %arg9[%dma_wait3A_64] : memref<5x!tpu.dma_semaphore, #tpu.memory_space<semaphore_mem>> -> memref<1x!tpu.dma_semaphore, #tpu.memory_space<semaphore_mem>>
    %dma_wait3A_73 = tpu.memref_squeeze %dma_wait3A_72 : memref<1x!tpu.dma_semaphore, #tpu.memory_space<semaphore_mem>> -> memref<!tpu.dma_semaphore, #tpu.memory_space<semaphore_mem>>
    %dma_wait3A_74 = arith.constant 0 : i32
    %dma_wait3A_75 = arith.constant 0 : i32
    %dma_wait3A_76 = tpu.memref_slice %arg4[%dma_wait3A_74, %dma_wait3A_75] : memref<819200x128xf32, #tpu.memory_space<hbm>> -> memref<128x128xf32, #tpu.memory_space<hbm>>
    %dma_wait3A_77 = arith.constant 0 : i32
    %dma_wait3A_78 = arith.constant 0 : i32
    %dma_wait3A_79 = tpu.memref_slice %arg7[%dma_wait3A_63, %dma_wait3A_77, %dma_wait3A_78] : memref<5x128x128xf32, #tpu.memory_space<vmem>> -> memref<1x128x128xf32, #tpu.memory_space<vmem>>
    %dma_wait3A_80 = tpu.memref_squeeze %dma_wait3A_79 : memref<1x128x128xf32, #tpu.memory_space<vmem>> -> memref<128x128xf32, #tpu.memory_space<vmem>>
    tpu.wait_dma2 semaphore(%dma_wait3A_73 : memref<!tpu.dma_semaphore, #tpu.memory_space<semaphore_mem>>) src(%dma_wait3A_80 : memref<128x128xf32, #tpu.memory_space<vmem>>) dst(%dma_wait3A_76 : memref<128x128xf32, #tpu.memory_space<hbm>>)
    %dma_wait3A_81 = arith.constant 4 : i32
    %dma_wait3A_82 = arith.constant 4 : i32
    %dma_wait3A_83 = arith.constant 0 : i32
    %dma_wait3A_84 = arith.constant 0 : i32
    %dma_wait3A_85 = tpu.memref_slice %arg7[%dma_wait3A_81, %dma_wait3A_83, %dma_wait3A_84] : memref<5x128x128xf32, #tpu.memory_space<vmem>> -> memref<1x128x128xf32, #tpu.memory_space<vmem>>
    %dma_wait3A_86 = tpu.memref_squeeze %dma_wait3A_85 : memref<1x128x128xf32, #tpu.memory_space<vmem>> -> memref<128x128xf32, #tpu.memory_space<vmem>>
    %dma_wait3A_87 = arith.constant 0 : i32
    %dma_wait3A_88 = arith.constant 0 : i32
    %dma_wait3A_89 = tpu.memref_slice %arg4[%dma_wait3A_87, %dma_wait3A_88] : memref<819200x128xf32, #tpu.memory_space<hbm>> -> memref<128x128xf32, #tpu.memory_space<hbm>>
    %dma_wait3A_90 = tpu.memref_slice %arg9[%dma_wait3A_82] : memref<5x!tpu.dma_semaphore, #tpu.memory_space<semaphore_mem>> -> memref<1x!tpu.dma_semaphore, #tpu.memory_space<semaphore_mem>>
    %dma_wait3A_91 = tpu.memref_squeeze %dma_wait3A_90 : memref<1x!tpu.dma_semaphore, #tpu.memory_space<semaphore_mem>> -> memref<!tpu.dma_semaphore, #tpu.memory_space<semaphore_mem>>
    %dma_wait3A_92 = arith.constant 0 : i32
    %dma_wait3A_93 = arith.constant 0 : i32
    %dma_wait3A_94 = tpu.memref_slice %arg4[%dma_wait3A_92, %dma_wait3A_93] : memref<819200x128xf32, #tpu.memory_space<hbm>> -> memref<128x128xf32, #tpu.memory_space<hbm>>
    %dma_wait3A_95 = arith.constant 0 : i32
    %dma_wait3A_96 = arith.constant 0 : i32
    %dma_wait3A_97 = tpu.memref_slice %arg7[%dma_wait3A_81, %dma_wait3A_95, %dma_wait3A_96] : memref<5x128x128xf32, #tpu.memory_space<vmem>> -> memref<1x128x128xf32, #tpu.memory_space<vmem>>
    %dma_wait3A_98 = tpu.memref_squeeze %dma_wait3A_97 : memref<1x128x128xf32, #tpu.memory_space<vmem>> -> memref<128x128xf32, #tpu.memory_space<vmem>>
    tpu.wait_dma2 semaphore(%dma_wait3A_91 : memref<!tpu.dma_semaphore, #tpu.memory_space<semaphore_mem>>) src(%dma_wait3A_98 : memref<128x128xf32, #tpu.memory_space<vmem>>) dst(%dma_wait3A_94 : memref<128x128xf32, #tpu.memory_space<hbm>>)
    return
  }
}

module attributes {stable_mosaic.version = 14 : i64} {
  func.func @_weight_body(%arg0: memref<1000x1xf32, #tpu.memory_space<vmem>>, %arg1: memref<1x128xf32, #tpu.memory_space<vmem>>, %arg2: memref<1x128xf32, #tpu.memory_space<vmem>>, %arg3: memref<1000x128xf32, #tpu.memory_space<vmem>>, %arg4: memref<1000x128xf32, #tpu.memory_space<vmem>>) attributes {dimension_semantics = [], scalar_prefetch = 0 : i64, scratch_operands = 0 : i64, tpu.core_type = #tpu.core_type<tc>} {
    %get3A = arith.constant 0 : index
    %get3A_0 = arith.constant 0 : index
    %get3A_1 = vector.load %arg0[%get3A, %get3A_0] : memref<1000x1xf32, #tpu.memory_space<vmem>>, vector<1000x1xf32>
    %get3A_2 = arith.constant 0 : index
    %get3A_3 = arith.constant 0 : index
    %get3A_4 = vector.load %arg1[%get3A_2, %get3A_3] : memref<1x128xf32, #tpu.memory_space<vmem>>, vector<1x128xf32>
    %mul3A = vector.broadcast %get3A_1 : vector<1000x1xf32> to vector<1000x128xf32>
    %mul3A_5 = vector.broadcast %get3A_4 : vector<1x128xf32> to vector<1000x128xf32>
    %mul3A_6 = arith.mulf %mul3A, %mul3A_5 : vector<1000x128xf32>
    %sub3A = arith.constant 1.000000e+00 : f32
    %sub3A_7 = vector.broadcast %sub3A : f32 to vector<1000x1xf32>
    %sub3A_8 = arith.subf %sub3A_7, %get3A_1 : vector<1000x1xf32>
    %get3A_9 = arith.constant 0 : index
    %get3A_10 = arith.constant 0 : index
    %get3A_11 = vector.load %arg2[%get3A_9, %get3A_10] : memref<1x128xf32, #tpu.memory_space<vmem>>, vector<1x128xf32>
    %mul3A_12 = vector.broadcast %sub3A_8 : vector<1000x1xf32> to vector<1000x128xf32>
    %mul3A_13 = vector.broadcast %get3A_11 : vector<1x128xf32> to vector<1000x128xf32>
    %mul3A_14 = arith.mulf %mul3A_12, %mul3A_13 : vector<1000x128xf32>
    %add3A = arith.addf %mul3A_6, %mul3A_14 : vector<1000x128xf32>
    %get3A_15 = arith.constant 0 : index
    %get3A_16 = arith.constant 0 : index
    %get3A_17 = vector.load %arg3[%get3A_15, %get3A_16] : memref<1000x128xf32, #tpu.memory_space<vmem>>, vector<1000x128xf32>
    %add3A_18 = arith.addf %add3A, %get3A_17 : vector<1000x128xf32>
    %swap3A = arith.constant 0 : index
    %swap3A_19 = arith.constant 0 : index
    %swap3A_20 = vector.load %arg4[%swap3A, %swap3A_19] : memref<1000x128xf32, #tpu.memory_space<vmem>>, vector<1000x128xf32>
    tpu.vector_store %arg4[%swap3A, %swap3A_19], %add3A_18 {strides = array<i32>} : memref<1000x128xf32, #tpu.memory_space<vmem>>, vector<1000x128xf32>,
    return
  }
}

</mosaic_0001>

<sc_bundles>
// kernel: kernel.4.cloned.1.call-start
scs
__scs_entry_jumppad:
0x0: {  	(pc) =	sbr.rel $0x88, $3  }
0x1: {  	(tag) =	ssettag $0x0;
	lr =	simm.s32 $0x1  }
0x2: {  	[smem:$0x3F9C] =	sst lr;
	_ =	strace $0xD0000000  }
0x3: {  	_ = 	snop  }
0x4: {  	_ = 	snop  }
0x5: {  	_ = 	snop  }
0x6: {  	_ = 	snop  }
0x7: {  	_ = 	snop  }
__scs_overlays_trampoline_lowered:
0x8: {  	[smem:$0x3FAB] =	sst s0  }
0x9: {  	[smem:$0x3FAC] =	sst s1  }
0xa: {  	[smem:$0x3FAD] =	sst s2  }
0xb: {  	[smem:$0x3FAE] =	sst s3  }
0xc: {  	[smem:$0x3FAF] =	sst s4  }
0xd: {  	[smem:$0x3FB0] =	sst s5  }
0xe: {  	[smem:$0x3FB1] =	sst s6  }
0xf: {  	[smem:$0x3FB2] =	sst s7  }
0x10: {  	[smem:$0x3FB3] =	sst s8  }
0x11: {  	[smem:$0x3FB4] =	sst s9;
	s0 =	simm.s32 @!p0 $0x0  }
0x12: {  	s1 =	sld [smem:$0x3F9A];
	s0 =	simm.s32 @p0 $0x1  }
0x13: {  	[smem:$0x3FB5] =	sst s0;
	s0 =	simm.s32 @!p1 $0x0  }
0x14: {  	s2 =	sld [smem:$0x3F99];
	s0 =	simm.s32 @p1 $0x1  }
0x15: {  	[smem:$0x3FB6] =	sst s0;
	s0 =	simm.s32 @!p2 $0x0  }
0x16: {  	s3 =	sld [smem:$0x3FDB];
	s0 =	simm.s32 @p2 $0x1  }
0x17: {  	s4 =	simm.s32 $0x1BF5;
	[smem:$0x3FB8] =	sst s0  }
0x18: {  	s0 =	sld [smem:$0x3F9B];
	_ =	swait.ge [sflag:s4], $0x0  }
0x19: {  	s7 =	sld [smem:$0x3F9C]  }
0x1a: {  	s8 =	sadd.s32 $0xFFFFE003, lr  }
0x1b: {  	s9 =	sadd.s32 $0xFFFFFEF7, lr;
	s5 =	simm.s32 $0xFFFFFFFF;
	p2 =	slt.u32 s8, $0xFFFFF086  }
0x1c: {  	p1 =	slt.u32 s9, $0xF7A;
	s5 =	simm.s32 @!p2 $0x0  }
0x1d: {  	s5 =	simm.s32 @p1 $0x1;
	p0 =	seq.s32 s7, s2  }
0x1e: {  	s7 =	smul.u32 @!p0 $0xF7A, s2;
	p2 =	seq.s32 @!p0 s5, $0x0  }
0x1f: {  	s9 =	smul.u32 $0xF7A, s1;
	s8 =	simm.s32 @!p0 $0x1BF5;
	p2 =	por !p2, p0  }
0x20: {  	[sflag:s8] =	ssyncset.s32 @!p0 $0xFFFFF086;
	s6 =	sadd.s32 @!p0 s3, s7;
	s7 =	simm.s32 @!p0 $0x108  }
0x21: {  	s3 =	sadd.s32 s3, s9;
	s6 =	sadd.s32 @!p0 $0x88, s6;
	s7 =	simm.s32 @p2 $0x1082  }
0x22: {  	[simem:s7], [sflag:s8] =	dma.local @!p0 [hbm:s6], $0xF7A  }
0x23: {  	s9 =	sor.u32 $0xD0000000, s2;
	s6 =	simm.s32 $0x108;
	_ =	swait.ge @!p0 [sflag:s8], $0x0  }
0x24: {  	s3 =	sadd.s32 $0x88, s3;
	s6 =	simm.s32 @!p1 $0x1082;
	[sflag:s4] =	ssyncset.s32 $0xFFFFF086  }
0x25: {  	[simem:s6], [sflag:s4] =	dma.local [hbm:s3], $0xF7A  }
0x26: {  	[smem:$0x3F9C] =	sst s1;
	(tag) =	ssettag s2;
	_ =	strace s9  }
0x27: {  	s1 =	sld [smem:$0x3FAC]  }
0x28: {  	s2 =	sld [smem:$0x3FAD]  }
0x29: {  	s4 =	sld [smem:$0x3FAF]  }
0x2a: {  	p0 =	seq.s32 s5, $0x0;
	s5 =	sld [smem:$0x3FB0]  }
0x2b: {  	s6 =	sld [smem:$0x3FB1]  }
0x2c: {  	s7 =	sld [smem:$0x3FB2]  }
0x2d: {  	s3 =	simm.s32 $0x108;
	s8 =	sld [smem:$0x3FB3]  }
0x2e: {  	s3 =	simm.s32 @!p0 $0x1082;
	s9 =	sld [smem:$0x3FB4]  }
0x2f: {  	lr =	sadd.s32 s0, s3;
	s0 =	sld [smem:$0x3FAB]  }
0x30: {  	s3 =	sld [smem:$0x3FAE]  }
0x31: {  	[smem:$0x3FB7] =	sst s10  }
0x32: {  	s10 =	sld [smem:$0x3FB5];
	_ =	sdelay $0x3  }
0x33: {  	p0 =	seq.s32 s10, $0x1;
	s10 =	sld [smem:$0x3FB7];
	_ =	sdelay $0x3  }
0x34: {  	[smem:$0x3FB7] =	sst s10  }
0x35: {  	s10 =	sld [smem:$0x3FB6];
	_ =	sdelay $0x3  }
0x36: {  	p1 =	seq.s32 s10, $0x1;
	s10 =	sld [smem:$0x3FB7];
	_ =	sdelay $0x3  }
0x37: {  	[smem:$0x3FB7] =	sst s10  }
0x38: {  	s10 =	sld [smem:$0x3FB8]  }
0x39: {  	_ = 	snop;
	(pc) =	sbr.ind lr, $3  }
0x3a: {  	_ = 	snop  }
0x3b: {  	_ = 	snop  }
0x3c: {  	p2 =	seq.s32 s10, $0x1;
	s10 =	sld [smem:$0x3FB7]  }
0x3d: {  	_ =	shalt  }
0x3e: {  	_ =	shalt  }
0x3f: {  	_ =	shalt  }
0x40: {  	_ =	shalt  }
0x41: {  	_ =	shalt  }
0x42: {  	_ =	shalt  }
0x43: {  	_ =	shalt  }
0x44: {  	_ =	shalt  }
0x45: {  	_ =	shalt  }
0x46: {  	_ =	shalt  }
0x47: {  	_ =	shalt  }
0x48: {  	_ =	shalt  }
0x49: {  	_ =	shalt  }
0x4a: {  	_ =	shalt  }
0x4b: {  	_ =	shalt  }
0x4c: {  	_ =	shalt  }
0x4d: {  	_ =	shalt  }
0x4e: {  	_ =	shalt  }
0x4f: {  	_ =	shalt  }
0x50: {  	_ =	shalt  }
0x51: {  	_ =	shalt  }
0x52: {  	_ =	shalt  }
0x53: {  	_ =	shalt  }
0x54: {  	_ =	shalt  }
0x55: {  	_ =	shalt  }
0x56: {  	_ =	shalt  }
0x57: {  	_ =	shalt  }
0x58: {  	_ =	shalt  }
0x59: {  	_ =	shalt  }
0x5a: {  	_ =	shalt  }
0x5b: {  	_ =	shalt  }
0x5c: {  	_ =	shalt  }
0x5d: {  	_ =	shalt  }
0x5e: {  	_ =	shalt  }
0x5f: {  	_ =	shalt  }
0x60: {  	_ =	shalt  }
0x61: {  	_ =	shalt  }
0x62: {  	_ =	shalt  }
0x63: {  	_ =	shalt  }
0x64: {  	_ =	shalt  }
0x65: {  	_ =	shalt  }
0x66: {  	_ =	shalt  }
0x67: {  	_ =	shalt  }
0x68: {  	_ =	shalt  }
0x69: {  	_ =	shalt  }
0x6a: {  	_ =	shalt  }
0x6b: {  	_ =	shalt  }
0x6c: {  	_ =	shalt  }
0x6d: {  	_ =	shalt  }
0x6e: {  	_ =	shalt  }
0x6f: {  	_ =	shalt  }
0x70: {  	_ =	shalt  }
0x71: {  	_ =	shalt  }
0x72: {  	_ =	shalt  }
0x73: {  	_ =	shalt  }
0x74: {  	_ =	shalt  }
0x75: {  	_ =	shalt  }
0x76: {  	_ =	shalt  }
0x77: {  	_ =	shalt  }
0x78: {  	_ =	shalt  }
0x79: {  	_ =	shalt  }
0x7a: {  	_ =	shalt  }
0x7b: {  	_ =	shalt  }
0x7c: {  	_ =	shalt  }
0x7d: {  	_ =	shalt  }
0x7e: {  	_ =	shalt  }
0x7f: {  	_ =	shalt  }
0x80: {  	_ =	shalt  }
0x81: {  	_ =	shalt  }
0x82: {  	_ =	shalt  }
0x83: {  	_ =	shalt  }
0x84: {  	_ =	shalt  }
0x85: {  	_ =	shalt  }
0x86: {  	_ =	shalt  }
0x87: {  	_ =	shalt  }
.Lfunc_end0:
.L_simem_size_0:
called_computation_lowered:
.L_overlay_start_0:
0x88: {  	s2 =	sld [smem:$0x3FD9]  }
0x89: {  	s3 =	sld [smem:$0x3FFE];
	_ =	sdelay $0x1  }
0x8a: {  	s1 =	srdreg.scid  }
0x8b: {  	s0 =	sand.u32 $0x1, s1  }
0x8c: {  	s17 =	sshll.u32 s0, $0xA;
	s2 =	sadd.s32 s3, s2  }
0x8d: {  	s2 =	sadd.s32 s2, s17  }
0x8e: {  	[smem:$0x3FC3] =	sst s2  }
0x8f: {  	_ = 	snop  }
0x90: {  	s2 =	sld [smem:$0x3FD0];
	(tm) =	ssettm $0x1  }
0x91: {  	s18 =	sld [smem:$0x3FFB];
	_ =	sdelay $0x3  }
0x92: {  	_ =	strace s18  }
0x93: {  	s3 =	sld [smem:$0x3FFC];
	_ =	sdelay $0x3  }
0x94: {  	_ =	strace s3  }
0x95: {  	s3 =	sld [smem:$0x3FFD];
	_ =	sdelay $0x3  }
0x96: {  	_ =	strace s3  }
0x97: {  	_ =	strace $0x8FFFFFFF  }
0x98: {  	s19 =	sld [smem:$0x3FDB];
	_ =	sdelay $0x1  }
0x99: {  	s4 =	simm.s32 $_scs_section_size  }
0x9a: {  	s5 =	simm.s32 $_size__tile_overlayer_lowered;
	s6 =	simm.s32 $_tile_overlayer_lowered  }
0x9b: {  	s22 =	simm.s32 $0x1BFF;
	s21 =	sshll.u32 s6, $0x1;
	s3 =	sadd.s32 s4, s19  }
0x9c: {  	s7 =	simm.s32 $0x0;
	s20 =	sshll.u32 s5, $0x1;
	s5 =	sadd.s32 s21, s3  }
0x9d: {  	[timem:s7], [sflag:s22] =	dma.local [hbm:s5], s20  }
0x9e: {  	_ =	swait.ge [sflag:s22], s20  }
0x9f: {  	s4 =	ssub.s32 $0x0, s20;
	[sflag:s22] =	ssyncset.done $0x0  }
0xa0: {  	[sflag:s22] =	ssyncadd.s32 s4;
	_ =	sdelay $0x1  }
0xa1: {  	s23 =	simm.s32 $0x1B8B  }
0xa2: {  	_ =	swait.ge [sflag:s23], $0x1  }
0xa3: {  	[sflag:s23] =	ssyncset.done $0x0  }
0xa4: {  	s25 =	simm.s32 $0x1B8E;
	s24 =	sld [smem:$0x3FFE];
	[sflag:s23] =	ssyncadd.s32 $0xFFFFFFFF  }
0xa5: {  	s26 =	simm.s32 $execute0_lowered;
	[smem:$0x3FD2] =	sst s25  }
0xa6: {  	s5 =	sshll.u32 s26, $0x1;
	_ =	strace $0x80000046;
	[dreg:$0x1] =	wrdreg $0xFFFFFFFF  }
0xa7: {  	s28 =	simm.s32 $_size_execute0_lowered;
	s3 =	sadd.s32 s3, s5;
	[dreg:$0x0] =	wrdreg $0x0  }
0xa8: {  	s5 =	sshll.u32 s28, $0x1;
	[dreg:$0x2] =	wrdreg s3  }
0xa9: {  	[dreg:$0x3] =	wrdreg s5  }
0xaa: {  	[dreg:$0x4] =	wrdreg $0xC0  }
0xab: {  	_ =	task [dreg:s7], $0x5FFFF  }
0xac: {  	[dreg:$0x1] =	wrdreg $0xFFFFFFFF  }
0xad: {  	[dreg:$0x0] =	wrdreg $0x60  }
0xae: {  	[dreg:$0x2] =	wrdreg s24  }
0xaf: {  	[dreg:$0x3] =	wrdreg s2  }
0xb0: {  	[dreg:$0x4] =	wrdreg $0x0  }
0xb1: {  	[dreg:$0x5] =	wrdreg $0x9  }
0xb2: {  	_ =	task.clear_ibuf [dreg:s7], $0x6FFFF;
	_ =	strace $0x90000046  }
0xb3: {  	s29 =	simm.s32 $0x9;
	_ =	strace $0x80000048  }
0xb4: {  	_ =	swait.ge [sflag:s29], $0x1  }
0xb5: {  	[sflag:s29] =	ssyncadd.s32 $0xFFFFFFFF  }
0xb6: {  	_ =	strace $0x90000048  }
0xb7: {  	_ =	sfence  }
0xb8: {  	s30 =	sld [smem:$0x0];
	_ =	sdelay $0x2  }
0xb9: {  	s31 =	sshll.u32 s1, $0xD;
	s1 =	sshrl.u32 s1, $0x2  }
0xba: {  	s3 =	sand.u32 $0x4000, s31;
	s1 =	sadd.s32 s1, s30  }
0xbb: {  	s0 =	sor.u32 s3, s0;
	s1 =	sshll.u32 s1, $0x11  }
0xbc: {  	s0 =	sor.u32 s1, s0  }
0xbd: {  	s0 =	sadd.s32 $0x8F2B, s0  }
0xbe: {  	[sflag:s0] =	ssyncadd.remote.s32 $0x1  }
0xbf: {  	_ =	sfence.sel $0xFFFF  }
0xc0: {  	[dreg:$0x0] =	wrdreg $0xFFFFFFFF;
	(pc) =	sbr.abs _section_cstart, $3  }
0xc1: {  	[dreg:$0x1] =	wrdreg $0xFFFFFFFF  }
0xc2: {  	_ =	task.clear_ibuf [dreg:s7], $0x2FFFF;
	_ =	strace $0x9FFFFFFF  }
0xc3: {  	(tm) =	ssettm $0x7FFFFFFF  }
tec
execute0_lowered:
.L_overlay_start_1:
0x0: {  	(tag) =	ssettag $0x1  }
0x1: {  	s5 =	rddreg [dreg:$0x0]  }
0x2: {  	s2 =	rddreg [dreg:$0x1]  }
0x3: {  	s3 =	rddreg [dreg:$0x2]  }
0x4: {  	s0 =	stileid.u32;
	s6 =	srdreg.scid  }
0x5: {  	s4 =	simm.s32 $0x0;
	s28 =	simm.s32 $0x80;
	s29 =	simm.s32 $0x8340  }
0x6: {  	s30 =	simm.s32 $0xC340;
	s31 =	simm.s32 $0x10340;
	s15 =	simm.s32 $0x14340  }
0x7: {  	s14 =	simm.s32 $0x1;
	s16 =	simm.s32 $0x3;
	s17 =	simm.s32 $0x4  }
0x8: {  	s18 =	simm.s32 $0x5;
	s19 =	simm.s32 $0x6;
	s20 =	simm.s32 $0x0  }
0x9: {  	s7 =	sand.u32 $0x1, s6;
	[smem:$0x7FF] =	sst s4;
	s8 =	smul.u32 $0xC80, s0  }
0xa: {  	s11 =	smul.u32 $0x19000, s0;
	_ =	strace $0x80000047;
	[dreg:$0x4] =	wrdreg s28  }
0xb: {  	s23 =	sshll.u32 s0, $0x1;
	s25 =	smul.u32 $0xC8000, s0;
	[dreg:$0x5] =	wrdreg s29  }
0xc: {  	p0 =	sgt.u32 s0, $0x4;
	s6 =	sor.u32 s7, s23;
	[dreg:$0x6] =	wrdreg s30  }
0xd: {  	s10 =	ssub.s32 $0x2, s7;
	s13 =	smul.u32 $0x64000, s7;
	[dreg:$0x7] =	wrdreg s31  }
0xe: {  	[dreg:$0x8] =	wrdreg s15;
	s15 =	simm.s32 $0x2;
	s9 =	smul.u32 $0xC80, s6  }
0xf: {  	s8 =	sadd.s32 s8, s5;
	s12 =	sshrl.u32 s10, $0x1;
	s24 =	sshrl.u32 s11, $0x2  }
0x10: {  	s26 =	sadd.s32 s25, s2;
	s11 =	sshll.u32 @!p0 s0, $0x6;
	s10 =	ssub.s32 s10, s12  }
0x11: {  	s12 =	sadd.s32 s24, s3;
	s1 =	sadd.s32 $0x19C00, s8;
	s9 =	sadd.s32 s9, s5  }
0x12: {  	s5 =	smul.u32 $0xC8, s6;
	[dreg:$0x9] =	wrdreg s1;
	s8 =	smax.u32 s10, $0x1  }
0x13: {  	s10 =	sor.u32 @!p0 $0x1C07, s11;
	s11 =	sshrl.u32 @!p0 s12, $0x3;
	s12 =	simm.s32 $0x7  }
0x14: {  	s7 =	sadd.s32 $0xC00, s9;
	s9 =	sadd.s32 s13, s26;
	s13 =	simm.s32 $0x18340  }
.LBB2_1:
0x15: {  	s0 =	rddreg [dreg:$0x9];
	s21 =	simm.s32 @!p0 $0x7  }
0x16: {  	[spmem:s11], [sflag:s10] =	dma.local @!p0 [hbm:s0], $0xC80  }
0x17: {  	_ =	swait.ge @!p0 [sflag:s21], $0xC80  }
0x18: {  	[sflag:s21] =	ssyncset.done @!p0 $0x0  }
0x19: {  	[sflag:s21] =	ssyncadd.s32 @!p0 $0xFFFFF380  }
0x1a: {  	s21 =	simm.s32 $0x1F40;
	[bflag:$0x0] =	sbarrier.arrive $0xFFFF  }
0x1b: {  	[tilespmem:s21], [sflag:$0x7] =	stream.linear.gather [hbm4b:s7+s4], $0x6400, $0x38;
	[tilespmem:$0x1C340] =	vst v63  }
0x1c: {  	_ =	swait.ge [sflag:s12], $0x6400  }
0x1d: {  	p1 =	por $0x0, $0x0;
	[sflag:s12] =	ssyncset.done $0x0  }
0x1e: {  	s22 =	simm.s32 @p1 $0x2;
	[sflag:s12] =	ssyncadd.s32 $0xFFFF9C00  }
0x1f: {  	_ =	swait.ge @p1 [sflag:s22], $0x4000  }
0x20: {  	s23 =	simm.s32 @p1 $0x80;
	[sflag:s22] =	ssyncset.done @p1 $0x0  }
0x21: {  	s24 =	simm.s32 @p1 $0x8340;
	[sflag:s22] =	ssyncadd.s32 @p1 $0xFFFFC000;
	s22 =	simm.s32 @p1 $0x3  }
0x22: {  	[tilespmem:s24], [sflag:$0x1] =	stream.indirect.gather @p1 [spmem:s3], $0x80, s21, s23, $0xb8;
	[tilespmem:$0x1C340] =	vst v63  }
0x23: {  	_ =	swait.ge @p1 [sflag:s22], $0x4000  }
0x24: {  	s21 =	simm.s32 @p1 $0x1FC0;
	[sflag:s22] =	ssyncset.done @p1 $0x0  }
0x25: {  	s24 =	simm.s32 @p1 $0xC340;
	[sflag:s22] =	ssyncadd.s32 @p1 $0xFFFFC000;
	s22 =	simm.s32 @p1 $0x4  }
0x26: {  	[tilespmem:s24], [sflag:$0x1] =	stream.indirect.gather @p1 [spmem:s3], $0x80, s21, s23, $0xb8;
	[tilespmem:$0x1C340] =	vst v63  }
0x27: {  	_ =	swait.ge @p1 [sflag:s22], $0x4000  }
0x28: {  	s21 =	simm.s32 @p1 $0x2040;
	[sflag:s22] =	ssyncset.done @p1 $0x0  }
0x29: {  	s24 =	simm.s32 @p1 $0x10340;
	[sflag:s22] =	ssyncadd.s32 @p1 $0xFFFFC000;
	s22 =	simm.s32 @p1 $0x5  }
0x2a: {  	[tilespmem:s24], [sflag:$0x1] =	stream.indirect.gather @p1 [spmem:s3], $0x80, s21, s23, $0xb8;
	[tilespmem:$0x1C340] =	vst v63  }
0x2b: {  	_ =	swait.ge @p1 [sflag:s22], $0x4000  }
0x2c: {  	s21 =	simm.s32 @p1 $0x20C0;
	[sflag:s22] =	ssyncset.done @p1 $0x0  }
0x2d: {  	s24 =	simm.s32 @p1 $0x14340;
	[sflag:s22] =	ssyncadd.s32 @p1 $0xFFFFC000;
	s22 =	simm.s32 @p1 $0x6  }
0x2e: {  	[tilespmem:s24], [sflag:$0x1] =	stream.indirect.gather @p1 [spmem:s3], $0x80, s21, s23, $0xb8;
	[tilespmem:$0x1C340] =	vst v63  }
0x2f: {  	s25 =	simm.s32 @!p1 $0x8340;
	s24 =	simm.s32 $0x4;
	_ =	swait.ge @p1 [sflag:s22], $0x4000  }
0x30: {  	s21 =	simm.s32 @!p1 $0x80;
	s24 =	simm.s32 @!p1 $0x4;
	[sflag:s22] =	ssyncset.done @p1 $0x0  }
0x31: {  	s23 =	simm.s32 @!p1 $0x1F40;
	s28 =	sshll.u32 s24, $0x7;
	[sflag:s22] =	ssyncadd.s32 @p1 $0xFFFFC000  }
0x32: {  	[tilespmem:s25], [sflag:$0x1] =	stream.indirect.gather @!p1 [spmem:s3], $0x80, s23, s21, $0xb8;
	[tilespmem:$0x1C340] =	vst v63  }
0x33: {  	s22 =	simm.s32 @!p1 $0xC340;
	s30 =	sand.u32 $0x3FFFFF80, s28;
	s25 =	simm.s32 @!p1 $0x1FC0  }
0x34: {  	[tilespmem:s22], [sflag:$0x1] =	stream.indirect.gather @!p1 [spmem:s3], $0x80, s25, s21, $0xb8;
	[tilespmem:$0x1C340] =	vst v63  }
0x35: {  	s23 =	simm.s32 @!p1 $0x2040;
	s25 =	simm.s32 @!p1 $0x10340;
	s22 =	simm.s32 @p1 $0x1  }
0x36: {  	[tilespmem:s25], [sflag:$0x1] =	stream.indirect.gather @!p1 [spmem:s3], $0x80, s23, s21, $0xb8;
	[tilespmem:$0x1C340] =	vst v63  }
0x37: {  	s22 =	simm.s32 @!p1 $0x1;
	s23 =	simm.s32 @!p1 $0x20C0;
	s25 =	simm.s32 @!p1 $0x14340  }
0x38: {  	[tilespmem:s25], [sflag:$0x1] =	stream.indirect.gather @!p1 [spmem:s3], $0x80, s23, s21, $0xb8;
	[tilespmem:$0x1C340] =	vst v63  }
0x39: {  	s26 =	rddreg [dreg:$0x4];
	s31 =	sadd.s32 $0x1F40, s30;
	s1 =	sadd.s32 s5, s22  }
0x3a: {  	[tilespmem:s13], [sflag:$0x1] =	stream.indirect.gather [spmem:s3], $0x80, s31, s26, $0xb8;
	[tilespmem:$0x1C340] =	vst v63  }
0x3b: {  	s22 =	sadd.s32 $0x2800, s9;
	s21 =	sshll.u32 s1, $0xB;
	_ =	swait.ge [sflag:s14], $0x4000  }
0x3c: {  	s23 =	simm.s32 @p1 $0x2;
	s21 =	sand.u32 $0x1FFFF800, s21;
	[sflag:s14] =	ssyncset.done $0x0  }
0x3d: {  	s23 =	simm.s32 @!p1 $0x2;
	s0 =	rddreg [dreg:$0x5];
	[sflag:s14] =	ssyncadd.s32 $0xFFFFC000  }
0x3e: {  	[hbm4b:s9+s4] =	stream.linear.scatter [tilespmem:s0], [sflag:$0x2], $0x4000, $0x38;
	[tilespmem:$0x1C340] =	vst v63  }
0x3f: {  	s21 =	sadd.s32 s2, s21;
	s25 =	sadd.s32 s5, s23;
	_ =	swait.ge [sflag:s14], $0x4000  }
0x40: {  	s23 =	simm.s32 @p1 $0x3;
	s31 =	sadd.s32 s5, s24;
	[sflag:s14] =	ssyncset.done $0x0  }
0x41: {  	s24 =	simm.s32 $0xE;
	s6 =	rddreg [dreg:$0x6];
	[sflag:s14] =	ssyncadd.s32 $0xFFFFC000  }
0x42: {  	[hbm4b:s21+s4] =	stream.linear.scatter [tilespmem:s6], [sflag:$0x3], $0x4000, $0x38;
	[tilespmem:$0x1C340] =	vst v63  }
0x43: {  	s23 =	simm.s32 @!p1 $0x3;
	s21 =	sshll.u32 s25, $0xB;
	_ =	swait.ge [sflag:s14], $0x4000  }
0x44: {  	s28 =	sadd.s32 s5, s23;
	s21 =	sand.u32 $0x1FFFF800, s21;
	[sflag:s14] =	ssyncset.done $0x0  }
0x45: {  	s26 =	rddreg [dreg:$0x7];
	s21 =	sadd.s32 s2, s21;
	[sflag:s14] =	ssyncadd.s32 $0xFFFFC000  }
0x46: {  	[hbm4b:s21+s4] =	stream.linear.scatter [tilespmem:s26], [sflag:$0x4], $0x4000, $0x38;
	[tilespmem:$0x1C340] =	vst v63  }
0x47: {  	p1 =	por $0x1, $0x1;
	s21 =	sshll.u32 s28, $0xB;
	_ =	swait.ge [sflag:s14], $0x4000  }
0x48: {  	s23 =	sshll.u32 s31, $0xB;
	s21 =	sand.u32 $0x1FFFF800, s21;
	[sflag:s14] =	ssyncset.done $0x0  }
0x49: {  	s30 =	rddreg [dreg:$0x8];
	s21 =	sadd.s32 s2, s21;
	[sflag:s14] =	ssyncadd.s32 $0xFFFFC000  }
0x4a: {  	[hbm4b:s21+s4] =	stream.linear.scatter [tilespmem:s30], [sflag:$0x5], $0x4000, $0x38;
	[tilespmem:$0x1C340] =	vst v63  }
0x4b: {  	s29 =	sand.u32 $0x1FFFF800, s23;
	s23 =	simm.s32 $0x21C0;
	s21 =	simm.s32 $0x9  }
.LBB2_2:
0x4c: {  	_ =	swait.ge [sflag:s14], $0x4000  }
0x4d: {  	[sflag:s14] =	ssyncset.done $0x0  }
0x4e: {  	s26 =	simm.s32 @p1 $0x2;
	s29 =	sadd.s32 s2, s29;
	[sflag:s14] =	ssyncadd.s32 $0xFFFFC000  }
0x4f: {  	[hbm4b:s29+s4] =	stream.linear.scatter [tilespmem:s13], [sflag:$0x6], $0x4000, $0x38;
	[tilespmem:$0x1C340] =	vst v63  }
0x50: {  	s28 =	sadd.s32 @p1 $0xFFFFFFFD, s21;
	s31 =	simm.s32 @p1 $0x8340;
	_ =	swait.ge @p1 [sflag:s26], $0x4000  }
0x51: {  	s0 =	simm.s32 @p1 $0x3;
	s28 =	simm.s32 @!p1 $0x1;
	[sflag:s26] =	ssyncset.done @p1 $0x0  }
0x52: {  	s28 =	sadd.s32 s5, s28;
	s29 =	simm.s32 @p1 $0x80;
	[sflag:s26] =	ssyncadd.s32 @p1 $0xFFFFC000  }
0x53: {  	[tilespmem:s31], [sflag:$0x1] =	stream.indirect.gather @p1 [spmem:s3], $0x80, s23, s29, $0xb8;
	[tilespmem:$0x1C340] =	vst v63  }
0x54: {  	s30 =	sadd.s32 @p1 $0xFFFFFFFE, s21;
	s28 =	sshll.u32 s28, $0xB;
	_ =	swait.ge @p1 [sflag:s0], $0x4000  }
0x55: {  	s26 =	sand.u32 $0x1FFFF800, s28;
	s28 =	sadd.s32 @p1 $0x80, s23;
	[sflag:s0] =	ssyncset.done @p1 $0x0  }
0x56: {  	s31 =	simm.s32 @p1 $0xC340;
	[sflag:s0] =	ssyncadd.s32 @p1 $0xFFFFC000;
	s0 =	simm.s32 @p1 $0x4  }
0x57: {  	[tilespmem:s31], [sflag:$0x1] =	stream.indirect.gather @p1 [spmem:s3], $0x80, s28, s29, $0xb8;
	[tilespmem:$0x1C340] =	vst v63  }
0x58: {  	s30 =	simm.s32 @!p1 $0x2;
	_ =	swait.ge @p1 [sflag:s0], $0x4000  }
0x59: {  	s6 =	simm.s32 @p1 $0x10340;
	s30 =	sadd.s32 s5, s30;
	[sflag:s0] =	ssyncset.done @p1 $0x0  }
0x5a: {  	s31 =	sadd.s32 @p1 $0x100, s23;
	[sflag:s0] =	ssyncadd.s32 @p1 $0xFFFFC000;
	s0 =	simm.s32 @p1 $0x5  }
0x5b: {  	[tilespmem:s6], [sflag:$0x1] =	stream.indirect.gather @p1 [spmem:s3], $0x80, s31, s29, $0xb8;
	[tilespmem:$0x1C340] =	vst v63  }
0x5c: {  	s1 =	sadd.s32 @p1 $0xFFFFFFFF, s21;
	s30 =	sshll.u32 s30, $0xB;
	_ =	swait.ge @p1 [sflag:s0], $0x4000  }
0x5d: {  	s28 =	sand.u32 $0x1FFFF800, s30;
	s30 =	simm.s32 @p1 $0x14340;
	[sflag:s0] =	ssyncset.done @p1 $0x0  }
0x5e: {  	s6 =	sadd.s32 @p1 $0x180, s23;
	[sflag:s0] =	ssyncadd.s32 @p1 $0xFFFFC000;
	s0 =	simm.s32 @p1 $0x6  }
0x5f: {  	[tilespmem:s30], [sflag:$0x1] =	stream.indirect.gather @p1 [spmem:s3], $0x80, s6, s29, $0xb8;
	[tilespmem:$0x1C340] =	vst v63  }
0x60: {  	s21 =	simm.s32 @!p1 $0x4;
	s31 =	simm.s32 @!p1 $0xC340;
	_ =	swait.ge @p1 [sflag:s0], $0x4000  }
0x61: {  	s6 =	simm.s32 @!p1 $0x80;
	s29 =	simm.s32 @!p1 $0x1F40;
	[sflag:s0] =	ssyncset.done @p1 $0x0  }
0x62: {  	s30 =	simm.s32 @!p1 $0x8340;
	[sflag:s0] =	ssyncadd.s32 @p1 $0xFFFFC000;
	s0 =	sshll.u32 s21, $0x7  }
0x63: {  	[tilespmem:s30], [sflag:$0x1] =	stream.indirect.gather @!p1 [spmem:s3], $0x80, s29, s6, $0xb8;
	[tilespmem:$0x1C340] =	vst v63  }
0x64: {  	s21 =	sadd.s32 s5, s21;
	s29 =	simm.s32 @!p1 $0x1FC0;
	s0 =	sand.u32 $0x3FFFFF80, s0  }
0x65: {  	[tilespmem:s31], [sflag:$0x1] =	stream.indirect.gather @!p1 [spmem:s3], $0x80, s29, s6, $0xb8;
	[tilespmem:$0x1C340] =	vst v63  }
0x66: {  	s21 =	sshll.u32 s21, $0xB;
	s30 =	simm.s32 @!p1 $0x2040;
	s31 =	simm.s32 @!p1 $0x10340  }
0x67: {  	[tilespmem:s31], [sflag:$0x1] =	stream.indirect.gather @!p1 [spmem:s3], $0x80, s30, s6, $0xb8;
	[tilespmem:$0x1C340] =	vst v63  }
0x68: {  	s29 =	sand.u32 $0x1FFFF800, s21;
	s21 =	simm.s32 @!p1 $0x20C0;
	s30 =	simm.s32 @!p1 $0x14340  }
0x69: {  	[tilespmem:s30], [sflag:$0x1] =	stream.indirect.gather @!p1 [spmem:s3], $0x80, s21, s6, $0xb8;
	[tilespmem:$0x1C340] =	vst v63  }
0x6a: {  	s0 =	sadd.s32 $0x1F40, s0;
	s31 =	rddreg [dreg:$0x4]  }
0x6b: {  	[tilespmem:s13], [sflag:$0x1] =	stream.indirect.gather [spmem:s3], $0x80, s0, s31, $0xb8;
	[tilespmem:$0x1C340] =	vst v63  }
0x6c: {  	_ =	swait.ge [sflag:s14], $0x4000  }
0x6d: {  	[sflag:s14] =	ssyncset.done $0x0  }
0x6e: {  	s31 =	rddreg [dreg:$0x5];
	[sflag:s14] =	ssyncadd.s32 $0xFFFFC000  }
0x6f: {  	[hbm4b:s22+s4] =	stream.linear.scatter [tilespmem:s31], [sflag:$0x2], $0x4000, $0x38;
	[tilespmem:$0x1C340] =	vst v63  }
0x70: {  	s25 =	smov.u32 s24;
	_ =	swait.ge [sflag:s14], $0x4000  }
0x71: {  	s1 =	simm.s32 @!p1 $0x3;
	s21 =	smov.u32 s25;
	[sflag:s14] =	ssyncset.done $0x0  }
0x72: {  	s25 =	sadd.s32 s2, s26;
	s6 =	rddreg [dreg:$0x6];
	[sflag:s14] =	ssyncadd.s32 $0xFFFFC000  }
0x73: {  	[hbm4b:s25+s4] =	stream.linear.scatter [tilespmem:s6], [sflag:$0x3], $0x4000, $0x38;
	[tilespmem:$0x1C340] =	vst v63  }
0x74: {  	s24 =	sadd.s32 $0x5, s24;
	s1 =	sadd.s32 s5, s1;
	_ =	swait.ge [sflag:s14], $0x4000  }
0x75: {  	p2 =	sne.s32 s24, $0xCC;
	s1 =	sshll.u32 s1, $0xB;
	[sflag:s14] =	ssyncset.done $0x0  }
0x76: {  	s30 =	sadd.s32 s2, s28;
	s26 =	rddreg [dreg:$0x7];
	[sflag:s14] =	ssyncadd.s32 $0xFFFFC000  }
0x77: {  	[hbm4b:s30+s4] =	stream.linear.scatter [tilespmem:s26], [sflag:$0x4], $0x4000, $0x38;
	[tilespmem:$0x1C340] =	vst v63  }
.Ltmp0:
0x78: {  	s1 =	sand.u32 $0x1FFFF800, s1;
	(pc) =	sbr.rel @p2 .LBB2_2-.Ltmp0, $4  }
0x79: {  	s1 =	sadd.s32 s2, s1;
	_ =	swait.ge [sflag:s14], $0x4000  }
0x7a: {  	s23 =	sadd.s32 $0x280, s23;
	p1 =	sne.s32 s21, $0x4;
	[sflag:s14] =	ssyncset.done $0x0  }
0x7b: {  	s22 =	sadd.s32 $0x2800, s22;
	s31 =	rddreg [dreg:$0x8];
	[sflag:s14] =	ssyncadd.s32 $0xFFFFC000  }
0x7c: {  	[hbm4b:s1+s4] =	stream.linear.scatter [tilespmem:s31], [sflag:$0x5], $0x4000, $0x38;
	[tilespmem:$0x1C340] =	vst v63  }
0x7d: {  	_ =	swait.ge [sflag:s14], $0x4000  }
0x7e: {  	[sflag:s14] =	ssyncset.done $0x0  }
0x7f: {  	s0 =	simm.s32 @p1 $0x2;
	s1 =	sadd.s32 s2, s29;
	[sflag:s14] =	ssyncadd.s32 $0xFFFFC000  }
0x80: {  	[hbm4b:s1+s4] =	stream.linear.scatter [tilespmem:s13], [sflag:$0x6], $0x4000, $0x38;
	[tilespmem:$0x1C340] =	vst v63  }
0x81: {  	_ =	swait.ge @p1 [sflag:s0], $0x4000  }
0x82: {  	s6 =	simm.s32 @p1 $0x8340;
	[sflag:s0] =	ssyncset.done @p1 $0x0  }
0x83: {  	s1 =	simm.s32 @p1 $0x80;
	[sflag:s0] =	ssyncadd.s32 @p1 $0xFFFFC000;
	s0 =	simm.s32 @p1 $0x3  }
0x84: {  	[tilespmem:s6], [sflag:$0x1] =	stream.indirect.gather @p1 [spmem:s3], $0x80, s23, s1, $0xb8;
	[tilespmem:$0x1C340] =	vst v63  }
0x85: {  	_ =	swait.ge @p1 [sflag:s0], $0x4000  }
0x86: {  	s24 =	simm.s32 @p1 $0xC340;
	[sflag:s0] =	ssyncset.done @p1 $0x0  }
0x87: {  	s6 =	sadd.s32 @p1 $0x80, s23;
	[sflag:s0] =	ssyncadd.s32 @p1 $0xFFFFC000;
	s0 =	simm.s32 @p1 $0x4  }
0x88: {  	[tilespmem:s24], [sflag:$0x1] =	stream.indirect.gather @p1 [spmem:s3], $0x80, s6, s1, $0xb8;
	[tilespmem:$0x1C340] =	vst v63  }
0x89: {  	_ =	swait.ge @p1 [sflag:s0], $0x4000  }
0x8a: {  	s6 =	sadd.s32 @p1 $0x100, s23;
	[sflag:s0] =	ssyncset.done @p1 $0x0  }
0x8b: {  	s24 =	simm.s32 @p1 $0x10340;
	[sflag:s0] =	ssyncadd.s32 @p1 $0xFFFFC000;
	s0 =	simm.s32 @p1 $0x5  }
0x8c: {  	[tilespmem:s24], [sflag:$0x1] =	stream.indirect.gather @p1 [spmem:s3], $0x80, s6, s1, $0xb8;
	[tilespmem:$0x1C340] =	vst v63  }
0x8d: {  	_ =	swait.ge @p1 [sflag:s0], $0x4000  }
0x8e: {  	s23 =	sadd.s32 @p1 $0x180, s23;
	[sflag:s0] =	ssyncset.done @p1 $0x0  }
0x8f: {  	s24 =	simm.s32 @p1 $0x14340;
	[sflag:s0] =	ssyncadd.s32 @p1 $0xFFFFC000;
	s0 =	simm.s32 @p1 $0x6  }
0x90: {  	[tilespmem:s24], [sflag:$0x1] =	stream.indirect.gather @p1 [spmem:s3], $0x80, s23, s1, $0xb8;
	[tilespmem:$0x1C340] =	vst v63  }
0x91: {  	s25 =	simm.s32 @!p1 $0x1F40;
	s26 =	simm.s32 @!p1 $0x8340;
	_ =	swait.ge @p1 [sflag:s0], $0x4000  }
0x92: {  	s6 =	sadd.s32 @p1 $0xFFFFFFFD, s21;
	s1 =	sadd.s32 @p1 $0xFFFFFFFE, s21;
	[sflag:s0] =	ssyncset.done @p1 $0x0  }
0x93: {  	s23 =	sadd.s32 @p1 $0xFFFFFFFF, s21;
	s24 =	simm.s32 @!p1 $0x80;
	[sflag:s0] =	ssyncadd.s32 @p1 $0xFFFFC000  }
0x94: {  	[tilespmem:s26], [sflag:$0x1] =	stream.indirect.gather @!p1 [spmem:s3], $0x80, s25, s24, $0xb8;
	[tilespmem:$0x1C340] =	vst v63  }
0x95: {  	s21 =	simm.s32 @!p1 $0x4;
	s0 =	simm.s32 @!p1 $0xC340;
	s26 =	simm.s32 @!p1 $0x1FC0  }
0x96: {  	[tilespmem:s0], [sflag:$0x1] =	stream.indirect.gather @!p1 [spmem:s3], $0x80, s26, s24, $0xb8;
	[tilespmem:$0x1C340] =	vst v63  }
0x97: {  	s29 =	sshll.u32 s21, $0x7;
	s25 =	simm.s32 @!p1 $0x2040;
	s26 =	simm.s32 @!p1 $0x10340  }
0x98: {  	[tilespmem:s26], [sflag:$0x1] =	stream.indirect.gather @!p1 [spmem:s3], $0x80, s25, s24, $0xb8;
	[tilespmem:$0x1C340] =	vst v63  }
0x99: {  	s30 =	sand.u32 $0x3FFFFF80, s29;
	s25 =	simm.s32 @!p1 $0x20C0;
	s26 =	simm.s32 @!p1 $0x14340  }
0x9a: {  	[tilespmem:s26], [sflag:$0x1] =	stream.indirect.gather @!p1 [spmem:s3], $0x80, s25, s24, $0xb8;
	[tilespmem:$0x1C340] =	vst v63  }
0x9b: {  	s28 =	rddreg [dreg:$0x4];
	s0 =	sadd.s32 $0x1F40, s30  }
0x9c: {  	[tilespmem:s13], [sflag:$0x1] =	stream.indirect.gather [spmem:s3], $0x80, s0, s28, $0xb8;
	[tilespmem:$0x1C340] =	vst v63  }
0x9d: {  	_ =	swait.ge [sflag:s14], $0x4000  }
0x9e: {  	[sflag:s14] =	ssyncset.done $0x0  }
0x9f: {  	s6 =	simm.s32 @!p1 $0x1;
	s31 =	rddreg [dreg:$0x5];
	[sflag:s14] =	ssyncadd.s32 $0xFFFFC000  }
0xa0: {  	[hbm4b:s22+s4] =	stream.linear.scatter [tilespmem:s31], [sflag:$0x2], $0x4000, $0x38;
	[tilespmem:$0x1C340] =	vst v63  }
0xa1: {  	s22 =	sadd.s32 s5, s6  }
0xa2: {  	s1 =	simm.s32 @!p1 $0x2;
	_ =	swait.ge [sflag:s14], $0x4000;
	s0 =	sshll.u32 s22, $0xB  }
0xa3: {  	s25 =	sadd.s32 s5, s1;
	s0 =	sand.u32 $0x1FFFF800, s0;
	[sflag:s14] =	ssyncset.done $0x0  }
0xa4: {  	s24 =	rddreg [dreg:$0x6];
	[sflag:s14] =	ssyncadd.s32 $0xFFFFC000;
	s0 =	sadd.s32 s2, s0  }
0xa5: {  	[hbm4b:s0+s4] =	stream.linear.scatter [tilespmem:s24], [sflag:$0x3], $0x4000, $0x38;
	[tilespmem:$0x1C340] =	vst v63  }
0xa6: {  	s23 =	simm.s32 @!p1 $0x3;
	s0 =	sshll.u32 s25, $0xB;
	_ =	swait.ge [sflag:s14], $0x4000  }
0xa7: {  	s28 =	sadd.s32 s5, s23;
	s0 =	sand.u32 $0x1FFFF800, s0;
	[sflag:s14] =	ssyncset.done $0x0  }
0xa8: {  	s26 =	rddreg [dreg:$0x7];
	s0 =	sadd.s32 s2, s0;
	[sflag:s14] =	ssyncadd.s32 $0xFFFFC000  }
0xa9: {  	[hbm4b:s0+s4] =	stream.linear.scatter [tilespmem:s26], [sflag:$0x4], $0x4000, $0x38;
	[tilespmem:$0x1C340] =	vst v63  }
0xaa: {  	s0 =	sshll.u32 s28, $0xB;
	_ =	swait.ge [sflag:s14], $0x4000  }
0xab: {  	s30 =	sadd.s32 s5, s21;
	s0 =	sand.u32 $0x1FFFF800, s0;
	[sflag:s14] =	ssyncset.done $0x0  }
0xac: {  	s29 =	rddreg [dreg:$0x8];
	s0 =	sadd.s32 s2, s0;
	[sflag:s14] =	ssyncadd.s32 $0xFFFFC000  }
0xad: {  	[hbm4b:s0+s4] =	stream.linear.scatter [tilespmem:s29], [sflag:$0x5], $0x4000, $0x38;
	[tilespmem:$0x1C340] =	vst v63  }
0xae: {  	s31 =	sshll.u32 s30, $0xB;
	_ =	swait.ge [sflag:s14], $0x4000  }
0xaf: {  	s0 =	sand.u32 $0x1FFFF800, s31;
	[sflag:s14] =	ssyncset.done $0x0  }
0xb0: {  	s0 =	sadd.s32 s2, s0;
	[sflag:s14] =	ssyncadd.s32 $0xFFFFC000  }
0xb1: {  	[hbm4b:s0+s4] =	stream.linear.scatter [tilespmem:s13], [sflag:$0x6], $0x4000, $0x38;
	[tilespmem:$0x1C340] =	vst v63  }
0xb2: {  	_ =	swait.ge [sflag:s15], $0x4000  }
0xb3: {  	[sflag:s15] =	ssyncset.done $0x0  }
0xb4: {  	[sflag:s15] =	ssyncadd.s32 $0xFFFFC000  }
0xb5: {  	_ =	swait.ge [sflag:s16], $0x4000  }
0xb6: {  	[sflag:s16] =	ssyncset.done $0x0  }
0xb7: {  	[sflag:s16] =	ssyncadd.s32 $0xFFFFC000  }
0xb8: {  	_ =	swait.ge [sflag:s17], $0x4000  }
0xb9: {  	[sflag:s17] =	ssyncset.done $0x0  }
0xba: {  	s20 =	sadd.s32 $0x1, s20;
	[sflag:s17] =	ssyncadd.s32 $0xFFFFC000  }
0xbb: {  	p1 =	sne.s32 s20, s8;
	_ =	swait.ge [sflag:s18], $0x4000  }
.Ltmp1:
0xbc: {  	[sflag:s18] =	ssyncset.done $0x0;
	(pc) =	sbr.rel @p1 .LBB2_1-.Ltmp1, $4  }
0xbd: {  	[sflag:s18] =	ssyncadd.s32 $0xFFFFC000  }
0xbe: {  	_ =	swait.ge [sflag:s19], $0x4000  }
0xbf: {  	[sflag:s19] =	ssyncset.done $0x0  }
0xc0: {  	[sflag:s19] =	ssyncadd.s32 $0xFFFFC000  }
0xc1: {  	_ =	sfence.sel $0x180000  }
0xc2: {  	[bflag:$0x0] =	sbarrier.arrive $0xFFFF  }
0xc3: {  	_ =	strace $0x90000047  }
0xc4: {  	s0 =	stileid.u32;
	[bflag:$0x2] =	sbarrier.arrive $0xFFFF  }
0xc5: {  	p0 =	sne.s32 s0, $0x0;
	s0 =	rddreg [dreg:$0x3]  }
0xc6: {  	s0 =	sadd.s32 @!p0 $0x100000, s0  }
0xc7: {  	[sflag:s0] =	ssyncadd.tile.s32 @!p0 $0x1;
	_ =	shalt  }
.Lfunc_end2:
_tile_overlayer_lowered:
.L_overlay_start_2:
0xc8: {  	(tag) =	ssettag $0x2  }
0xc9: {  	s0 =	rddreg [dreg:$0x0];
	s2 =	stileid.u32  }
0xca: {  	s1 =	rddreg [dreg:$0x1];
	p0 =	sne.s32 s2, $0x0  }
0xcb: {  	s3 =	rddreg [dreg:$0x2];
	[bflag:$0x3] =	sbarrier.arrive $0xFFFF;
	s2 =	simm.s32 @!p0 $0x1C07  }
0xcc: {  	[timem:s3], [sflag:s2] =	dma.local @!p0 [hbm:s0], s1  }
0xcd: {  	s0 =	simm.s32 @!p0 $0x7  }
0xce: {  	_ =	swait.ge @!p0 [sflag:s0], s1  }
0xcf: {  	s1 =	ssub.s32 @!p0 $0x0, s1;
	[sflag:s0] =	ssyncset.done @!p0 $0x0  }
0xd0: {  	[sflag:s0] =	ssyncadd.s32 @!p0 s1  }
0xd1: {  	[bflag:$0x3] =	sbarrier.arrive $0xFFFF  }
0xd2: {  	_ =	shalt  }

</sc_bundles>
